<compile_context>
chip_gen: v7x
topology: tpu7x:2x2x1
jax: 0.10.2.dev20260603
libtpu: 0.0.44.dev20260713+nightly
codegen_flags: <defaults>
</compile_context>

<pallas_src>
import functools

import jax
import jax.numpy as jnp
from jax import lax
from jax.experimental import pallas as pl
from jax.experimental.pallas import tpu as pltpu
from jax.experimental.pallas import tpu_sc as plsc

B, S, D = 1, 2048, 768
E, K, F = 8, 2, 2048
T = B * S
A = T * K
TM = 256
MT = A // TM + E
A_PAD = MT * TM
DH = D // 2
N_T = T // TM

_SC_WORKERS = 32
_BPW = A // _SC_WORKERS


def _pack2(y):
    yl = lax.bitcast_convert_type(y[..., :DH], jnp.int32)
    yh = lax.bitcast_convert_type(y[..., DH:], jnp.int32)
    lo = jnp.right_shift(yl + 0x8000, 16) & jnp.int32(0xFFFF)
    hi = (yh + 0x8000) & jnp.int32(-65536)
    return lo | hi


def _unpack2(u):
    lo = lax.bitcast_convert_type(jnp.left_shift(u, 16), jnp.float32)
    hi = lax.bitcast_convert_type(u & jnp.int32(-65536), jnp.float32)
    return jnp.concatenate([lo, hi], axis=-1)


def _ln_router(x, wr, lns, lnb):
    mu = jnp.mean(x, axis=-1, keepdims=True)
    xc = x - mu
    var = jnp.mean(xc * xc, axis=-1, keepdims=True)
    h = xc * lax.rsqrt(var + 1e-5) * lns + lnb
    logits = jnp.dot(h, wr, preferred_element_type=jnp.float32)
    logits = logits - jnp.max(logits, axis=-1, keepdims=True)
    ex = jnp.exp(logits)
    probs = ex / jnp.sum(ex, axis=-1, keepdims=True)
    m1 = jnp.max(probs, axis=-1, keepdims=True)
    eio = lax.broadcasted_iota(jnp.int32, probs.shape, 1)
    i1 = jnp.min(jnp.where(probs >= m1, eio, E), axis=-1, keepdims=True)
    mask1 = eio == i1
    probs_wo = jnp.where(mask1, -1.0, probs)
    m2 = jnp.max(probs_wo, axis=-1, keepdims=True)
    i2 = jnp.min(jnp.where(probs_wo >= m2, eio, E), axis=-1, keepdims=True)
    mask2 = eio == i2
    return h, m1, m2, mask1, mask2


def _route_kernel(x_ref, wr_ref, lns_ref, lnb_ref,
                  h_ref, pos_ref, w_ref, meta_ref):
    x = x_ref[...]
    h, m1, m2, mask1, mask2 = _ln_router(x, wr_ref[...], lns_ref[...],
                                         lnb_ref[...])
    h_ref[...] = _pack2(h)
    denom = m1 + m2
    w_ref[...] = jnp.concatenate([m1 / denom, m2 / denom], axis=1)

    m01 = (mask1 | mask2).astype(jnp.float32)

    CH = 256
    rio = lax.broadcasted_iota(jnp.int32, (CH, CH), 0)
    cio = lax.broadcasted_iota(jnp.int32, (CH, CH), 1)
    ltri = (cio < rio).astype(jnp.bfloat16)
    carry = jnp.zeros((1, E), jnp.float32)
    rank_chunks = []
    for c in range(T // CH):
        mb = m01[c * CH:(c + 1) * CH, :]
        ranks_c = jnp.dot(ltri, mb.astype(jnp.bfloat16),
                          preferred_element_type=jnp.float32) + carry
        rank_chunks.append(ranks_c)
        carry = carry + jnp.sum(mb, axis=0, keepdims=True)
    ranks = jnp.concatenate(rank_chunks, axis=0)
    counts = carry

    tiles = jnp.floor((counts + (TM - 1)) * (1.0 / TM))
    uio_r = lax.broadcasted_iota(jnp.int32, (E, E), 0)
    uio_c = lax.broadcasted_iota(jnp.int32, (E, E), 1)
    utri = (uio_r < uio_c).astype(jnp.bfloat16)
    start_tile = jnp.dot(tiles.astype(jnp.bfloat16), utri,
                         preferred_element_type=jnp.float32)
    n_tiles = jnp.sum(tiles, axis=-1, keepdims=True)
    start_row = start_tile * TM

    sel1 = jnp.sum(jnp.where(mask1, start_row + ranks, 0.0), axis=-1,
                   keepdims=True)
    sel2 = jnp.sum(jnp.where(mask2, start_row + ranks, 0.0), axis=-1,
                   keepdims=True)
    pos_ref[...] = jnp.concatenate([sel1, sel2], axis=1).astype(jnp.int32)

    end_tile = start_tile + tiles
    live = (tiles > 0.0).astype(jnp.float32)
    mio = lax.broadcasted_iota(jnp.int32, (32, E), 0).astype(jnp.float32)
    texp = jnp.sum((mio >= end_tile).astype(jnp.float32), axis=-1,
                   keepdims=True)
    e_last = jnp.sum((end_tile <= n_tiles - 1.0).astype(jnp.float32),
                     axis=-1, keepdims=True)
    texp = jnp.minimum(texp, e_last)
    eio = lax.broadcasted_iota(jnp.int32, (32, E), 1).astype(jnp.float32)
    eq = (eio == texp).astype(jnp.float32)
    f_cur = jnp.sum(eq * start_tile, axis=-1, keepdims=True)
    f_next = jnp.sum(eq * end_tile, axis=-1, keepdims=True)
    ordv = jnp.sum((mio >= end_tile).astype(jnp.float32) * live, axis=-1,
                   keepdims=True)
    sio = lax.broadcasted_iota(jnp.int32, (32, 1), 0)
    texp = jnp.where(sio == MT, n_tiles, texp)
    meta_col = jnp.concatenate([texp, f_cur, f_next, ordv],
                               axis=0).astype(jnp.int32)
    meta_ref[...] = jnp.broadcast_to(meta_col, (128, 128))


def _route(tokens, Wr, lns, lnb):
    return pl.pallas_call(
        _route_kernel,
        out_shape=(
            jax.ShapeDtypeStruct((T, DH), jnp.int32),
            jax.ShapeDtypeStruct((T, K), jnp.int32),
            jax.ShapeDtypeStruct((T, K), jnp.float32),
            jax.ShapeDtypeStruct((128, 128), jnp.int32),
        ),
    )(tokens, Wr, lns, lnb)


def _sc_scatter(h_packed, pos_flat):
    mesh = plsc.VectorSubcoreMesh(core_axis_name="c", subcore_axis_name="s")

    @functools.partial(
        pl.kernel, mesh=mesh,
        out_type=jax.ShapeDtypeStruct((A_PAD, DH), jnp.int32),
        scratch_types=[
            pltpu.VMEM((_BPW,), jnp.int32),
            pltpu.VMEM((_BPW, DH), jnp.int32),
            pltpu.SemaphoreType.DMA,
        ],
    )
    def k(h_hbm, idx_hbm, xg_hbm, idx_v, rows_v, sem):
        wid = lax.axis_index("s") * 2 + lax.axis_index("c")
        base = wid * _BPW
        pltpu.sync_copy(idx_hbm.at[pl.ds(base, _BPW)], idx_v)
        pltpu.sync_copy(h_hbm.at[pl.ds(lax.rem(base, T), _BPW)], rows_v)
        pltpu.async_copy(rows_v, xg_hbm.at[idx_v], sem).wait()

    return k(h_packed, pos_flat)


def _sc_gather(y_g, pos_flat):
    mesh = plsc.VectorSubcoreMesh(core_axis_name="c", subcore_axis_name="s")

    @functools.partial(
        pl.kernel, mesh=mesh,
        out_type=jax.ShapeDtypeStruct((A, DH), jnp.int32),
        scratch_types=[
            pltpu.VMEM((_BPW,), jnp.int32),
            pltpu.VMEM((_BPW, DH), jnp.int32),
            pltpu.SemaphoreType.DMA,
        ],
    )
    def k(yg_hbm, idx_hbm, yp_hbm, idx_v, rows_v, sem):
        wid = lax.axis_index("s") * 2 + lax.axis_index("c")
        base = wid * _BPW
        pltpu.sync_copy(idx_hbm.at[pl.ds(base, _BPW)], idx_v)
        pltpu.async_copy(yg_hbm.at[idx_v], rows_v, sem).wait()
        pltpu.sync_copy(rows_v, yp_hbm.at[pl.ds(base, _BPW)])

    return k(y_g, pos_flat)


_LOOKAHEAD = 3
_WCHUNK = 4


def _w_copies(w1_hbm, w2_hbm, e, w1b, w2b, sem1, sem2, slot):
    half = F // _WCHUNK
    cps = []
    for c in range(_WCHUNK):
        cps.append(pltpu.make_async_copy(
            w1_hbm.at[e, :, pl.ds(c * half, half)],
            w1b.at[slot, :, pl.ds(c * half, half)],
            sem1.at[slot, c]))
        cps.append(pltpu.make_async_copy(
            w2_hbm.at[e, pl.ds(c * half, half), :],
            w2b.at[slot, pl.ds(c * half, half), :],
            sem2.at[slot, c]))
    return cps


def _ffn_kernel(s_ref, x_ref, w1_hbm, w2_hbm, y_ref,
                w1b, w2b, sem1, sem2):
    i = pl.program_id(0)
    n = s_ref[MT]

    @pl.when(i < n)
    def _():
        e_cur = s_ref[i]
        f_cur = s_ref[32 + i]
        f_nxt = s_ref[64 + i]
        ordv = s_ref[96 + i]
        slot = lax.rem(ordv, 2)
        nslot = 1 - slot

        @pl.when(i == 0)
        def _():
            for cp in _w_copies(w1_hbm, w2_hbm, e_cur, w1b, w2b,
                                sem1, sem2, slot):
                cp.start()

        issue_at = jnp.maximum(f_nxt - _LOOKAHEAD, f_cur)

        @pl.when((i == issue_at) & (f_nxt < n))
        def _():
            e_nxt = s_ref[jnp.minimum(f_nxt, MT - 1)]
            for cp in _w_copies(w1_hbm, w2_hbm, e_nxt, w1b, w2b,
                                sem1, sem2, nslot):
                cp.start()

        @pl.when(i == f_cur)
        def _():
            for cp in _w_copies(w1_hbm, w2_hbm, e_cur, w1b, w2b,
                                sem1, sem2, slot):
                cp.wait()

        xb = _unpack2(x_ref[...]).astype(jnp.bfloat16)
        w1 = w1b[slot].astype(jnp.bfloat16)
        mid = jnp.dot(xb, w1, preferred_element_type=jnp.float32)
        mid = mid * jax.nn.sigmoid(mid)
        y = jnp.dot(mid.astype(jnp.bfloat16), w2b[slot].astype(jnp.bfloat16),
                    preferred_element_type=jnp.float32)
        y_ref[...] = _pack2(y)


def _ffn(meta, x_g, W1, W2):
    grid_spec = pltpu.PrefetchScalarGridSpec(
        num_scalar_prefetch=1,
        grid=(MT,),
        in_specs=[
            pl.BlockSpec((TM, DH),
                         lambda i, s: (jnp.minimum(i, s[MT] - 1), 0)),
            pl.BlockSpec(memory_space=pltpu.MemorySpace.HBM),
            pl.BlockSpec(memory_space=pltpu.MemorySpace.HBM),
        ],
        out_specs=pl.BlockSpec((TM, DH),
                               lambda i, s: (jnp.minimum(i, s[MT] - 1), 0)),
        scratch_shapes=[
            pltpu.VMEM((2, D, F), jnp.float32),
            pltpu.VMEM((2, F, D), jnp.float32),
            pltpu.SemaphoreType.DMA((2, _WCHUNK)),
            pltpu.SemaphoreType.DMA((2, _WCHUNK)),
        ],
    )
    return pl.pallas_call(
        _ffn_kernel,
        grid_spec=grid_spec,
        out_shape=jax.ShapeDtypeStruct((A_PAD, DH), jnp.int32),
    )(meta, x_g, W1, W2)


def _combine_kernel(x_ref, w_ref, ya_ref, yb_ref, out_ref):
    w = w_ref[...]
    ya = _unpack2(ya_ref[...])
    yb = _unpack2(yb_ref[...])
    out_ref[...] = x_ref[...] + w[:, 0:1] * ya + w[:, 1:2] * yb


def _combine(tokens, wpair, y_pair):
    return pl.pallas_call(
        _combine_kernel,
        grid=(N_T,),
        in_specs=[
            pl.BlockSpec((TM, D), lambda t: (t, 0)),
            pl.BlockSpec((TM, K), lambda t: (t, 0)),
            pl.BlockSpec((TM, DH), lambda t: (t, 0)),
            pl.BlockSpec((TM, DH), lambda t: (t + N_T, 0)),
        ],
        out_specs=pl.BlockSpec((TM, D), lambda t: (t, 0)),
        out_shape=jax.ShapeDtypeStruct((T, D), jnp.float32),
    )(tokens, wpair, y_pair, y_pair)


@jax.jit
def kernel(hidden_states, Wr, W1, W2, ln_scale, ln_bias):
    b, s, d = hidden_states.shape
    tokens = hidden_states.reshape(T, D)
    lns = ln_scale.reshape(1, D)
    lnb = ln_bias.reshape(1, D)

    h_packed, posw, wpair, meta2d = _route(tokens, Wr, lns, lnb)
    pos_flat = posw.T.reshape(A)
    meta = meta2d[:, 0]

    x_g = _sc_scatter(h_packed, pos_flat)
    y_g = _ffn(meta, x_g, W1, W2)
    y_pair = _sc_gather(y_g, pos_flat)
    out = _combine(tokens, wpair, y_pair)
    return out.reshape(b, s, d)

# --- scband reference (transcript-rebuilt; emitter-appended) ---
"""Pipeline reference for scband-mo-elayer-18184891532017 (READ-ONLY COPY).

The authoritative reference and input builder live on the scoring server;
editing this copy changes nothing except your own understanding.
"""

import jax, jax.numpy as jnp
import numpy as np

B, S, D = 1, 2048, 768
E, K, F = 8, 2, 2048

def setup_inputs(seed: int = 0) -> dict:
    key = jax.random.key(seed)
    k0, k1, k2, k3 = jax.random.split(key, 4)
    hidden_states = jax.random.normal(k0, (B, S, D), dtype=jnp.float32)
    Wr = jax.random.normal(k1, (D, E), dtype=jnp.float32) * 0.02
    W1 = jax.random.normal(k2, (E, D, F), dtype=jnp.float32) * 0.02
    W2 = jax.random.normal(k3, (E, F, D), dtype=jnp.float32) * 0.02
    ln_scale = jnp.ones((D,), dtype=jnp.float32)
    ln_bias = jnp.zeros((D,), dtype=jnp.float32)
    return {"hidden_states": hidden_states, "Wr": Wr, "W1": W1, "W2": W2,
            "ln_scale": ln_scale, "ln_bias": ln_bias}

def reference(hidden_states, Wr, W1, W2, ln_scale, ln_bias):
    b, s, d = hidden_states.shape
    n_exp = Wr.shape[1]
    residual = hidden_states
    # LayerNorm (eps=1e-5)
    mu = jnp.mean(hidden_states, axis=-1, keepdims=True)
    var = jnp.mean((hidden_states - mu) ** 2, axis=-1, keepdims=True)
    h = (hidden_states - mu) / jnp.sqrt(var + 1e-5) * ln_scale + ln_bias
    tokens = h.reshape(-1, d)  # [T, D]
    T = tokens.shape[0]
    # TopKRouter (eval mode: no jitter, no aux loss)
    logits = tokens @ Wr  # [T, E]
    probs = jax.nn.softmax(logits, axis=-1)
    w, idx = jax.lax.top_k(probs, K)  # [T, K]
    # normalize_gates=True
    w = w / jnp.sum(w, axis=-1, keepdims=True)
    # combine weights per expert via scatter-add: [T, E]
    comb = jnp.zeros((T, n_exp), dtype=tokens.dtype)
    comb = comb.at[jnp.arange(T)[:, None], idx].add(w)
    # Expert FFNs (silu, no bias), weighted combine (no capacity dropping,
    # matching the torch loop which processes every routed token)
    out = jnp.zeros_like(tokens)
    for e in range(n_exp):
        mid = jax.nn.silu(tokens @ W1[e])
        y = mid @ W2[e]
        out = out + comb[:, e:e + 1] * y
    out = out.reshape(b, s, d)
    return residual + out

if __name__ == "__main__":
    import jax
    _d = setup_inputs()
    print(jax.jit(kernel)(*tuple(_d.values())))

</pallas_src>

<mosaic_0001>
#map = affine_map<(d0, d1) -> (0, 0)>
#map1 = affine_map<(d0, d1) -> (0)>
module attributes {stable_mosaic.version = 14 : i64} {
  func.func @k(%arg0: i32, %arg1: i32, %arg2: memref<6144x384xi32, #tpu.memory_space<hbm>>, %arg3: memref<4096xi32, #tpu.memory_space<hbm>>, %arg4: memref<4096x384xi32, #tpu.memory_space<hbm>>, %arg5: memref<128xi32, #tpu.memory_space<vmem>>, %arg6: memref<128x384xi32, #tpu.memory_space<vmem>>, %arg7: memref<!tpu.dma_semaphore, #tpu.memory_space<semaphore_mem>>) attributes {dimension_semantics = [#tpu.dimension_semantics<core_parallel>, #tpu.dimension_semantics<subcore_parallel>], iteration_bounds = array<i64: 2, 16>, scalar_prefetch = 0 : i64, scratch_operands = 3 : i64, tpu.core_type = #tpu.core_type<sc_vector_subcore>, window_params = [{transform_indices = #map}, {transform_indices = #map1}, {transform_indices = #map}]} {
    %mul3A = arith.constant 2 : i32
    %mul3A_0 = arith.muli %arg1, %mul3A : i32
    %add3A = arith.addi %mul3A_0, %arg0 : i32
    %mul3A_1 = arith.constant 128 : i32
    %mul3A_2 = arith.muli %add3A, %mul3A_1 : i32
    "tpu.region"() ({
      %run_scoped3A = tpu.sem_alloc : memref<!tpu.dma_semaphore, #tpu.memory_space<semaphore_mem>>
      %dma_start3A_7 = tpu.memref_slice %arg3[%mul3A_2] : memref<4096xi32, #tpu.memory_space<hbm>> -> memref<128xi32, #tpu.memory_space<hbm>>
      %dma_start3A_8 = tpu.memref_slice %arg3[%mul3A_2] : memref<4096xi32, #tpu.memory_space<hbm>> -> memref<128xi32, #tpu.memory_space<hbm>>
      tpu.enqueue_dma source(%dma_start3A_8 : memref<128xi32, #tpu.memory_space<hbm>>) target(%arg5 : memref<128xi32, #tpu.memory_space<vmem>>) target_semaphore(%run_scoped3A : memref<!tpu.dma_semaphore, #tpu.memory_space<semaphore_mem>>)
      %dma_wait3A_9 = tpu.memref_slice %arg3[%mul3A_2] : memref<4096xi32, #tpu.memory_space<hbm>> -> memref<128xi32, #tpu.memory_space<hbm>>
      %dma_wait3A_10 = tpu.memref_slice %arg3[%mul3A_2] : memref<4096xi32, #tpu.memory_space<hbm>> -> memref<128xi32, #tpu.memory_space<hbm>>
      tpu.wait_dma2 semaphore(%run_scoped3A : memref<!tpu.dma_semaphore, #tpu.memory_space<semaphore_mem>>) src(%dma_wait3A_10 : memref<128xi32, #tpu.memory_space<hbm>>) dst(%arg5 : memref<128xi32, #tpu.memory_space<vmem>>)
      tpu.yield
    }) : () -> ()
    %dma_start3A = arith.constant 0 : i32
    %dma_start3A_3 = arith.constant 0 : i32
    %dma_start3A_4 = tpu.memref_slice %arg2[%dma_start3A, %dma_start3A_3] : memref<6144x384xi32, #tpu.memory_space<hbm>> -> memref<6144x384xi32, #tpu.memory_space<hbm>>
    tpu.enqueue_indirect_dma source(%dma_start3A_4 : memref<6144x384xi32, #tpu.memory_space<hbm>>) target(%arg6 : memref<128x384xi32, #tpu.memory_space<vmem>>) offsets(%arg5 : memref<128xi32, #tpu.memory_space<vmem>>) semaphore(%arg7 : memref<!tpu.dma_semaphore, #tpu.memory_space<semaphore_mem>>)
    %dma_wait3A = arith.constant 0 : i32
    %dma_wait3A_5 = arith.constant 0 : i32
    %dma_wait3A_6 = tpu.memref_slice %arg2[%dma_wait3A, %dma_wait3A_5] : memref<6144x384xi32, #tpu.memory_space<hbm>> -> memref<6144x384xi32, #tpu.memory_space<hbm>>
    tpu.wait_indirect_dma semaphore(%arg7 : memref<!tpu.dma_semaphore, #tpu.memory_space<semaphore_mem>>) src(%dma_wait3A_6 : memref<6144x384xi32, #tpu.memory_space<hbm>>) dst(%arg6 : memref<128x384xi32, #tpu.memory_space<vmem>>)
    "tpu.region"() ({
      %run_scoped3A = tpu.sem_alloc : memref<!tpu.dma_semaphore, #tpu.memory_space<semaphore_mem>>
      %dma_start3A_7 = arith.constant 0 : i32
      %dma_start3A_8 = tpu.memref_slice %arg4[%mul3A_2, %dma_start3A_7] : memref<4096x384xi32, #tpu.memory_space<hbm>> -> memref<128x384xi32, #tpu.memory_space<hbm>>
      %dma_start3A_9 = arith.constant 0 : i32
      %dma_start3A_10 = tpu.memref_slice %arg4[%mul3A_2, %dma_start3A_9] : memref<4096x384xi32, #tpu.memory_space<hbm>> -> memref<128x384xi32, #tpu.memory_space<hbm>>
      tpu.enqueue_dma source(%arg6 : memref<128x384xi32, #tpu.memory_space<vmem>>) target(%dma_start3A_10 : memref<128x384xi32, #tpu.memory_space<hbm>>) target_semaphore(%run_scoped3A : memref<!tpu.dma_semaphore, #tpu.memory_space<semaphore_mem>>)
      %dma_wait3A_11 = arith.constant 0 : i32
      %dma_wait3A_12 = tpu.memref_slice %arg4[%mul3A_2, %dma_wait3A_11] : memref<4096x384xi32, #tpu.memory_space<hbm>> -> memref<128x384xi32, #tpu.memory_space<hbm>>
      %dma_wait3A_13 = arith.constant 0 : i32
      %dma_wait3A_14 = tpu.memref_slice %arg4[%mul3A_2, %dma_wait3A_13] : memref<4096x384xi32, #tpu.memory_space<hbm>> -> memref<128x384xi32, #tpu.memory_space<hbm>>
      tpu.wait_dma2 semaphore(%run_scoped3A : memref<!tpu.dma_semaphore, #tpu.memory_space<semaphore_mem>>) src(%arg6 : memref<128x384xi32, #tpu.memory_space<vmem>>) dst(%dma_wait3A_14 : memref<128x384xi32, #tpu.memory_space<hbm>>)
      tpu.yield
    }) : () -> ()
    return
  }
}

#map = affine_map<(d0, d1) -> (0, 0)>
#map1 = affine_map<(d0, d1) -> (0)>
module attributes {stable_mosaic.version = 14 : i64} {
  func.func @k(%arg0: i32, %arg1: i32, %arg2: memref<2048x384xi32, #tpu.memory_space<hbm>>, %arg3: memref<4096xi32, #tpu.memory_space<hbm>>, %arg4: memref<6144x384xi32, #tpu.memory_space<hbm>>, %arg5: memref<128xi32, #tpu.memory_space<vmem>>, %arg6: memref<128x384xi32, #tpu.memory_space<vmem>>, %arg7: memref<!tpu.dma_semaphore, #tpu.memory_space<semaphore_mem>>) attributes {dimension_semantics = [#tpu.dimension_semantics<core_parallel>, #tpu.dimension_semantics<subcore_parallel>], iteration_bounds = array<i64: 2, 16>, scalar_prefetch = 0 : i64, scratch_operands = 3 : i64, tpu.core_type = #tpu.core_type<sc_vector_subcore>, window_params = [{transform_indices = #map}, {transform_indices = #map1}, {transform_indices = #map}]} {
    %mul3A = arith.constant 2 : i32
    %mul3A_0 = arith.muli %arg1, %mul3A : i32
    %add3A = arith.addi %mul3A_0, %arg0 : i32
    %mul3A_1 = arith.constant 128 : i32
    %mul3A_2 = arith.muli %add3A, %mul3A_1 : i32
    "tpu.region"() ({
      %run_scoped3A = tpu.sem_alloc : memref<!tpu.dma_semaphore, #tpu.memory_space<semaphore_mem>>
      %dma_start3A_8 = tpu.memref_slice %arg3[%mul3A_2] : memref<4096xi32, #tpu.memory_space<hbm>> -> memref<128xi32, #tpu.memory_space<hbm>>
      %dma_start3A_9 = tpu.memref_slice %arg3[%mul3A_2] : memref<4096xi32, #tpu.memory_space<hbm>> -> memref<128xi32, #tpu.memory_space<hbm>>
      tpu.enqueue_dma source(%dma_start3A_9 : memref<128xi32, #tpu.memory_space<hbm>>) target(%arg5 : memref<128xi32, #tpu.memory_space<vmem>>) target_semaphore(%run_scoped3A : memref<!tpu.dma_semaphore, #tpu.memory_space<semaphore_mem>>)
      %dma_wait3A_10 = tpu.memref_slice %arg3[%mul3A_2] : memref<4096xi32, #tpu.memory_space<hbm>> -> memref<128xi32, #tpu.memory_space<hbm>>
      %dma_wait3A_11 = tpu.memref_slice %arg3[%mul3A_2] : memref<4096xi32, #tpu.memory_space<hbm>> -> memref<128xi32, #tpu.memory_space<hbm>>
      tpu.wait_dma2 semaphore(%run_scoped3A : memref<!tpu.dma_semaphore, #tpu.memory_space<semaphore_mem>>) src(%dma_wait3A_11 : memref<128xi32, #tpu.memory_space<hbm>>) dst(%arg5 : memref<128xi32, #tpu.memory_space<vmem>>)
      tpu.yield
    }) : () -> ()
    %rem3A = arith.constant 2048 : i32
    %rem3A_3 = arith.remsi %mul3A_2, %rem3A : i32
    "tpu.region"() ({
      %run_scoped3A = tpu.sem_alloc : memref<!tpu.dma_semaphore, #tpu.memory_space<semaphore_mem>>
      %dma_start3A_8 = arith.constant 0 : i32
      %dma_start3A_9 = tpu.memref_slice %arg2[%rem3A_3, %dma_start3A_8] : memref<2048x384xi32, #tpu.memory_space<hbm>> -> memref<128x384xi32, #tpu.memory_space<hbm>>
      %dma_start3A_10 = arith.constant 0 : i32
      %dma_start3A_11 = tpu.memref_slice %arg2[%rem3A_3, %dma_start3A_10] : memref<2048x384xi32, #tpu.memory_space<hbm>> -> memref<128x384xi32, #tpu.memory_space<hbm>>
      tpu.enqueue_dma source(%dma_start3A_11 : memref<128x384xi32, #tpu.memory_space<hbm>>) target(%arg6 : memref<128x384xi32, #tpu.memory_space<vmem>>) target_semaphore(%run_scoped3A : memref<!tpu.dma_semaphore, #tpu.memory_space<semaphore_mem>>)
      %dma_wait3A_12 = arith.constant 0 : i32
      %dma_wait3A_13 = tpu.memref_slice %arg2[%rem3A_3, %dma_wait3A_12] : memref<2048x384xi32, #tpu.memory_space<hbm>> -> memref<128x384xi32, #tpu.memory_space<hbm>>
      %dma_wait3A_14 = arith.constant 0 : i32
      %dma_wait3A_15 = tpu.memref_slice %arg2[%rem3A_3, %dma_wait3A_14] : memref<2048x384xi32, #tpu.memory_space<hbm>> -> memref<128x384xi32, #tpu.memory_space<hbm>>
      tpu.wait_dma2 semaphore(%run_scoped3A : memref<!tpu.dma_semaphore, #tpu.memory_space<semaphore_mem>>) src(%dma_wait3A_15 : memref<128x384xi32, #tpu.memory_space<hbm>>) dst(%arg6 : memref<128x384xi32, #tpu.memory_space<vmem>>)
      tpu.yield
    }) : () -> ()
    %dma_start3A = arith.constant 0 : i32
    %dma_start3A_4 = arith.constant 0 : i32
    %dma_start3A_5 = tpu.memref_slice %arg4[%dma_start3A, %dma_start3A_4] : memref<6144x384xi32, #tpu.memory_space<hbm>> -> memref<6144x384xi32, #tpu.memory_space<hbm>>
    tpu.enqueue_indirect_dma source(%arg6 : memref<128x384xi32, #tpu.memory_space<vmem>>) target(%dma_start3A_5 : memref<6144x384xi32, #tpu.memory_space<hbm>>) offsets(%arg5 : memref<128xi32, #tpu.memory_space<vmem>>) semaphore(%arg7 : memref<!tpu.dma_semaphore, #tpu.memory_space<semaphore_mem>>)
    %dma_wait3A = arith.constant 0 : i32
    %dma_wait3A_6 = arith.constant 0 : i32
    %dma_wait3A_7 = tpu.memref_slice %arg4[%dma_wait3A, %dma_wait3A_6] : memref<6144x384xi32, #tpu.memory_space<hbm>> -> memref<6144x384xi32, #tpu.memory_space<hbm>>
    tpu.wait_indirect_dma semaphore(%arg7 : memref<!tpu.dma_semaphore, #tpu.memory_space<semaphore_mem>>) src(%arg6 : memref<128x384xi32, #tpu.memory_space<vmem>>) dst(%dma_wait3A_7 : memref<6144x384xi32, #tpu.memory_space<hbm>>)
    return
  }
}

module attributes {stable_mosaic.version = 14 : i64} {
  func.func @_route_kernel(%arg0: memref<2048x768xf32, #tpu.memory_space<vmem>>, %arg1: memref<768x8xf32, #tpu.memory_space<vmem>>, %arg2: memref<1x768xf32, #tpu.memory_space<vmem>>, %arg3: memref<1x768xf32, #tpu.memory_space<vmem>>, %arg4: memref<2048x384xi32, #tpu.memory_space<vmem>>, %arg5: memref<2048x2xi32, #tpu.memory_space<vmem>>, %arg6: memref<2048x2xf32, #tpu.memory_space<vmem>>, %arg7: memref<128x128xi32, #tpu.memory_space<vmem>>) attributes {dimension_semantics = [], scalar_prefetch = 0 : i64, scratch_operands = 0 : i64, tpu.core_type = #tpu.core_type<tc>} {
    %get3A = arith.constant 0 : index
    %get3A_0 = arith.constant 0 : index
    %get3A_1 = vector.load %arg0[%get3A, %get3A_0] : memref<2048x768xf32, #tpu.memory_space<vmem>>, vector<2048x768xf32>
    %get3A_2 = arith.constant 0 : index
    %get3A_3 = arith.constant 0 : index
    %get3A_4 = vector.load %arg1[%get3A_2, %get3A_3] : memref<768x8xf32, #tpu.memory_space<vmem>>, vector<768x8xf32>
    %get3A_5 = arith.constant 0 : index
    %get3A_6 = arith.constant 0 : index
    %get3A_7 = vector.load %arg2[%get3A_5, %get3A_6] : memref<1x768xf32, #tpu.memory_space<vmem>>, vector<1x768xf32>
    %get3A_8 = arith.constant 0 : index
    %get3A_9 = arith.constant 0 : index
    %get3A_10 = vector.load %arg3[%get3A_8, %get3A_9] : memref<1x768xf32, #tpu.memory_space<vmem>>, vector<1x768xf32>
    %reduce_sum3A = arith.constant dense<0.000000e+00> : vector<2048xf32>
    %reduce_sum3A_11 = vector.multi_reduction <add>, %get3A_1, %reduce_sum3A [1] : vector<2048x768xf32> to vector<2048xf32>
    %broadcast_in_dim3A = vector.shape_cast %reduce_sum3A_11 : vector<2048xf32> to vector<2048x1xf32>
    %div3A = arith.constant 7.680000e+02 : f32
    %div3A_12 = vector.broadcast %div3A : f32 to vector<2048x1xf32>
    %div3A_13 = arith.divf %broadcast_in_dim3A, %div3A_12 : vector<2048x1xf32>
    %sub3A = vector.broadcast %div3A_13 : vector<2048x1xf32> to vector<2048x768xf32>
    %sub3A_14 = arith.subf %get3A_1, %sub3A : vector<2048x768xf32>
    %mul3A = arith.mulf %sub3A_14, %sub3A_14 : vector<2048x768xf32>
    %reduce_sum3A_15 = arith.constant dense<0.000000e+00> : vector<2048xf32>
    %reduce_sum3A_16 = vector.multi_reduction <add>, %mul3A, %reduce_sum3A_15 [1] : vector<2048x768xf32> to vector<2048xf32>
    %broadcast_in_dim3A_17 = vector.shape_cast %reduce_sum3A_16 : vector<2048xf32> to vector<2048x1xf32>
    %div3A_18 = arith.constant 7.680000e+02 : f32
    %div3A_19 = vector.broadcast %div3A_18 : f32 to vector<2048x1xf32>
    %div3A_20 = arith.divf %broadcast_in_dim3A_17, %div3A_19 : vector<2048x1xf32>
    %add3A = arith.constant 9.99999974E-6 : f32
    %add3A_21 = vector.broadcast %add3A : f32 to vector<2048x1xf32>
    %add3A_22 = arith.addf %div3A_20, %add3A_21 : vector<2048x1xf32>
    %rsqrt3A = math.rsqrt %add3A_22 : vector<2048x1xf32>
    %mul3A_23 = vector.broadcast %rsqrt3A : vector<2048x1xf32> to vector<2048x768xf32>
    %mul3A_24 = arith.mulf %sub3A_14, %mul3A_23 : vector<2048x768xf32>
    %mul3A_25 = vector.broadcast %get3A_7 : vector<1x768xf32> to vector<2048x768xf32>
    %mul3A_26 = arith.mulf %mul3A_24, %mul3A_25 : vector<2048x768xf32>
    %add3A_27 = vector.broadcast %get3A_10 : vector<1x768xf32> to vector<2048x768xf32>
    %add3A_28 = arith.addf %mul3A_26, %add3A_27 : vector<2048x768xf32>
    %dot_general3A = arith.constant dense<0.000000e+00> : vector<2048x8xf32>
    %dot_general3A_29 = tpu.matmul %add3A_28, %get3A_4, %dot_general3A {dimension_numbers = #tpu.dot_dimension_numbers<[1], [0], [0], [1], [0, 0, 1, 1], [], []>, transpose_lhs_hint = false} : vector<2048x768xf32>, vector<768x8xf32>, vector<2048x8xf32> -> vector<2048x8xf32>
    %reduce_max3A = arith.constant dense<0xFF800000> : vector<2048xf32>
    %reduce_max3A_30 = vector.multi_reduction <maximumf>, %dot_general3A_29, %reduce_max3A [1] : vector<2048x8xf32> to vector<2048xf32>
    %broadcast_in_dim3A_31 = vector.shape_cast %reduce_max3A_30 : vector<2048xf32> to vector<2048x1xf32>
    %sub3A_32 = vector.broadcast %broadcast_in_dim3A_31 : vector<2048x1xf32> to vector<2048x8xf32>
    %sub3A_33 = arith.subf %dot_general3A_29, %sub3A_32 : vector<2048x8xf32>
    %exp3A = math.exp %sub3A_33 : vector<2048x8xf32>
    %reduce_sum3A_34 = arith.constant dense<0.000000e+00> : vector<2048xf32>
    %reduce_sum3A_35 = vector.multi_reduction <add>, %exp3A, %reduce_sum3A_34 [1] : vector<2048x8xf32> to vector<2048xf32>
    %broadcast_in_dim3A_36 = vector.shape_cast %reduce_sum3A_35 : vector<2048xf32> to vector<2048x1xf32>
    %div3A_37 = vector.broadcast %broadcast_in_dim3A_36 : vector<2048x1xf32> to vector<2048x8xf32>
    %div3A_38 = arith.divf %exp3A, %div3A_37 : vector<2048x8xf32>
    %reduce_max3A_39 = arith.constant dense<0xFF800000> : vector<2048xf32>
    %reduce_max3A_40 = vector.multi_reduction <maximumf>, %div3A_38, %reduce_max3A_39 [1] : vector<2048x8xf32> to vector<2048xf32>
    %broadcast_in_dim3A_41 = vector.shape_cast %reduce_max3A_40 : vector<2048xf32> to vector<2048x1xf32>
    %iota3A = tpu.iota {dimensions = array<i32: 1>} : vector<2048x8xi32>
    %ge3A = vector.broadcast %broadcast_in_dim3A_41 : vector<2048x1xf32> to vector<2048x8xf32>
    %ge3A_42 = arith.cmpf oge, %div3A_38, %ge3A : vector<2048x8xf32>
    %jit3A = arith.constant 8 : i32
    %broadcast_in_dim3A_43 = vector.broadcast %jit3A : i32 to vector<2048x8xi32>
    %select_n3A = arith.select %ge3A_42, %iota3A, %broadcast_in_dim3A_43 : vector<2048x8xi1>, vector<2048x8xi32>
    %reduce_min3A = arith.constant dense<2147483647> : vector<2048xi32>
    %reduce_min3A_44 = vector.multi_reduction <minsi>, %select_n3A, %reduce_min3A [1] : vector<2048x8xi32> to vector<2048xi32>
    %broadcast_in_dim3A_45 = vector.shape_cast %reduce_min3A_44 : vector<2048xi32> to vector<2048x1xi32>
    %eq3A = vector.broadcast %broadcast_in_dim3A_45 : vector<2048x1xi32> to vector<2048x8xi32>
    %eq3A_46 = arith.cmpi eq, %iota3A, %eq3A : vector<2048x8xi32>
    %jit3A_47 = arith.constant -1.000000e+00 : f32
    %broadcast_in_dim3A_48 = vector.broadcast %jit3A_47 : f32 to vector<2048x8xf32>
    %select_n3A_49 = arith.select %eq3A_46, %broadcast_in_dim3A_48, %div3A_38 : vector<2048x8xi1>, vector<2048x8xf32>
    %reduce_max3A_50 = arith.constant dense<0xFF800000> : vector<2048xf32>
    %reduce_max3A_51 = vector.multi_reduction <maximumf>, %select_n3A_49, %reduce_max3A_50 [1] : vector<2048x8xf32> to vector<2048xf32>
    %broadcast_in_dim3A_52 = vector.shape_cast %reduce_max3A_51 : vector<2048xf32> to vector<2048x1xf32>
    %ge3A_53 = vector.broadcast %broadcast_in_dim3A_52 : vector<2048x1xf32> to vector<2048x8xf32>
    %ge3A_54 = arith.cmpf oge, %select_n3A_49, %ge3A_53 : vector<2048x8xf32>
    %jit3A_55 = arith.constant 8 : i32
    %broadcast_in_dim3A_56 = vector.broadcast %jit3A_55 : i32 to vector<2048x8xi32>
    %select_n3A_57 = arith.select %ge3A_54, %iota3A, %broadcast_in_dim3A_56 : vector<2048x8xi1>, vector<2048x8xi32>
    %reduce_min3A_58 = arith.constant dense<2147483647> : vector<2048xi32>
    %reduce_min3A_59 = vector.multi_reduction <minsi>, %select_n3A_57, %reduce_min3A_58 [1] : vector<2048x8xi32> to vector<2048xi32>
    %broadcast_in_dim3A_60 = vector.shape_cast %reduce_min3A_59 : vector<2048xi32> to vector<2048x1xi32>
    %eq3A_61 = vector.broadcast %broadcast_in_dim3A_60 : vector<2048x1xi32> to vector<2048x8xi32>
    %eq3A_62 = arith.cmpi eq, %iota3A, %eq3A_61 : vector<2048x8xi32>
    %slice3A = vector.extract_strided_slice %add3A_28 {offsets = [0, 0], sizes = [2048, 384], strides = [1, 1]} : vector<2048x768xf32> to vector<2048x384xf32>
    %bitcast_convert_type3A = tpu.bitcast %slice3A : vector<2048x384xf32> -> vector<2048x384xi32>
    %slice3A_63 = vector.extract_strided_slice %add3A_28 {offsets = [0, 384], sizes = [2048, 384], strides = [1, 1]} : vector<2048x768xf32> to vector<2048x384xf32>
    %bitcast_convert_type3A_64 = tpu.bitcast %slice3A_63 : vector<2048x384xf32> -> vector<2048x384xi32>
    %add3A_65 = arith.constant 32768 : i32
    %add3A_66 = vector.broadcast %add3A_65 : i32 to vector<2048x384xi32>
    %add3A_67 = arith.addi %bitcast_convert_type3A, %add3A_66 : vector<2048x384xi32>
    %shift_right_arithmetic3A = arith.constant 16 : i32
    %shift_right_arithmetic3A_68 = vector.broadcast %shift_right_arithmetic3A : i32 to vector<2048x384xi32>
    %shift_right_arithmetic3A_69 = arith.shrsi %add3A_67, %shift_right_arithmetic3A_68 : vector<2048x384xi32>
    %and3A = arith.constant 65535 : i32
    %and3A_70 = vector.broadcast %and3A : i32 to vector<2048x384xi32>
    %and3A_71 = arith.andi %shift_right_arithmetic3A_69, %and3A_70 : vector<2048x384xi32>
    %add3A_72 = arith.constant 32768 : i32
    %add3A_73 = vector.broadcast %add3A_72 : i32 to vector<2048x384xi32>
    %add3A_74 = arith.addi %bitcast_convert_type3A_64, %add3A_73 : vector<2048x384xi32>
    %and3A_75 = arith.constant -65536 : i32
    %and3A_76 = vector.broadcast %and3A_75 : i32 to vector<2048x384xi32>
    %and3A_77 = arith.andi %add3A_74, %and3A_76 : vector<2048x384xi32>
    %or3A = arith.ori %and3A_71, %and3A_77 : vector<2048x384xi32>
    %swap3A = arith.constant 0 : index
    %swap3A_78 = arith.constant 0 : index
    %swap3A_79 = vector.load %arg4[%swap3A, %swap3A_78] : memref<2048x384xi32, #tpu.memory_space<vmem>>, vector<2048x384xi32>
    tpu.vector_store %arg4[%swap3A, %swap3A_78], %or3A {strides = array<i32>} : memref<2048x384xi32, #tpu.memory_space<vmem>>, vector<2048x384xi32>,
    %add3A_80 = arith.addf %broadcast_in_dim3A_41, %broadcast_in_dim3A_52 : vector<2048x1xf32>
    %div3A_81 = arith.divf %broadcast_in_dim3A_41, %add3A_80 : vector<2048x1xf32>
    %div3A_82 = arith.divf %broadcast_in_dim3A_52, %add3A_80 : vector<2048x1xf32>
    %concatenate3A = tpu.concatenate %div3A_81, %div3A_82 in 1 : vector<2048x1xf32>, vector<2048x1xf32> -> vector<2048x2xf32>
    %swap3A_83 = arith.constant 0 : index
    %swap3A_84 = arith.constant 0 : index
    %swap3A_85 = vector.load %arg6[%swap3A_83, %swap3A_84] : memref<2048x2xf32, #tpu.memory_space<vmem>>, vector<2048x2xf32>
    tpu.vector_store %arg6[%swap3A_83, %swap3A_84], %concatenate3A {strides = array<i32>} : memref<2048x2xf32, #tpu.memory_space<vmem>>, vector<2048x2xf32>,
    %or3A_86 = arith.ori %eq3A_46, %eq3A_62 : vector<2048x8xi1>
    %convert_element_type3A = arith.extui %or3A_86 : vector<2048x8xi1> to vector<2048x8xi32>
    %convert_element_type3A_87 = arith.sitofp %convert_element_type3A : vector<2048x8xi32> to vector<2048x8xf32>
    %iota3A_88 = tpu.iota {dimensions = array<i32: 0>} : vector<256x256xi32>
    %iota3A_89 = tpu.iota {dimensions = array<i32: 1>} : vector<256x256xi32>
    %lt3A = arith.cmpi slt, %iota3A_89, %iota3A_88 : vector<256x256xi32>
    %convert_element_type3A_90 = arith.extui %lt3A : vector<256x256xi1> to vector<256x256xi32>
    %convert_element_type3A_91 = arith.sitofp %convert_element_type3A_90 : vector<256x256xi32> to vector<256x256xf32>
    %convert_element_type3A_92 = arith.truncf %convert_element_type3A_91 : vector<256x256xf32> to vector<256x256xbf16>
    %broadcast_in_dim3A_93 = arith.constant 0.000000e+00 : f32
    %broadcast_in_dim3A_94 = vector.broadcast %broadcast_in_dim3A_93 : f32 to vector<1x8xf32>
    %slice3A_95 = vector.extract_strided_slice %convert_element_type3A_87 {offsets = [0, 0], sizes = [256, 8], strides = [1, 1]} : vector<2048x8xf32> to vector<256x8xf32>
    %convert_element_type3A_96 = arith.truncf %slice3A_95 : vector<256x8xf32> to vector<256x8xbf16>
    %dot_general3A_97 = arith.constant dense<0.000000e+00> : vector<256x8xf32>
    %dot_general3A_98 = tpu.matmul %convert_element_type3A_92, %convert_element_type3A_96, %dot_general3A_97 {dimension_numbers = #tpu.dot_dimension_numbers<[1], [0], [0], [1], [0, 0, 1, 1], [], []>, transpose_lhs_hint = false} : vector<256x256xbf16>, vector<256x8xbf16>, vector<256x8xf32> -> vector<256x8xf32>
    %add3A_99 = vector.broadcast %broadcast_in_dim3A_94 : vector<1x8xf32> to vector<256x8xf32>
    %add3A_100 = arith.addf %dot_general3A_98, %add3A_99 : vector<256x8xf32>
    %reduce_sum3A_101 = arith.constant dense<0.000000e+00> : vector<8xf32>
    %reduce_sum3A_102 = vector.multi_reduction <add>, %slice3A_95, %reduce_sum3A_101 [0] : vector<256x8xf32> to vector<8xf32>
    %broadcast_in_dim3A_103 = vector.shape_cast %reduce_sum3A_102 : vector<8xf32> to vector<1x8xf32>
    %add3A_104 = arith.addf %broadcast_in_dim3A_94, %broadcast_in_dim3A_103 : vector<1x8xf32>
    %slice3A_105 = vector.extract_strided_slice %convert_element_type3A_87 {offsets = [256, 0], sizes = [256, 8], strides = [1, 1]} : vector<2048x8xf32> to vector<256x8xf32>
    %convert_element_type3A_106 = arith.truncf %slice3A_105 : vector<256x8xf32> to vector<256x8xbf16>
    %dot_general3A_107 = arith.constant dense<0.000000e+00> : vector<256x8xf32>
    %dot_general3A_108 = tpu.matmul %convert_element_type3A_92, %convert_element_type3A_106, %dot_general3A_107 {dimension_numbers = #tpu.dot_dimension_numbers<[1], [0], [0], [1], [0, 0, 1, 1], [], []>, transpose_lhs_hint = false} : vector<256x256xbf16>, vector<256x8xbf16>, vector<256x8xf32> -> vector<256x8xf32>
    %add3A_109 = vector.broadcast %add3A_104 : vector<1x8xf32> to vector<256x8xf32>
    %add3A_110 = arith.addf %dot_general3A_108, %add3A_109 : vector<256x8xf32>
    %reduce_sum3A_111 = arith.constant dense<0.000000e+00> : vector<8xf32>
    %reduce_sum3A_112 = vector.multi_reduction <add>, %slice3A_105, %reduce_sum3A_111 [0] : vector<256x8xf32> to vector<8xf32>
    %broadcast_in_dim3A_113 = vector.shape_cast %reduce_sum3A_112 : vector<8xf32> to vector<1x8xf32>
    %add3A_114 = arith.addf %add3A_104, %broadcast_in_dim3A_113 : vector<1x8xf32>
    %slice3A_115 = vector.extract_strided_slice %convert_element_type3A_87 {offsets = [512, 0], sizes = [256, 8], strides = [1, 1]} : vector<2048x8xf32> to vector<256x8xf32>
    %convert_element_type3A_116 = arith.truncf %slice3A_115 : vector<256x8xf32> to vector<256x8xbf16>
    %dot_general3A_117 = arith.constant dense<0.000000e+00> : vector<256x8xf32>
    %dot_general3A_118 = tpu.matmul %convert_element_type3A_92, %convert_element_type3A_116, %dot_general3A_117 {dimension_numbers = #tpu.dot_dimension_numbers<[1], [0], [0], [1], [0, 0, 1, 1], [], []>, transpose_lhs_hint = false} : vector<256x256xbf16>, vector<256x8xbf16>, vector<256x8xf32> -> vector<256x8xf32>
    %add3A_119 = vector.broadcast %add3A_114 : vector<1x8xf32> to vector<256x8xf32>
    %add3A_120 = arith.addf %dot_general3A_118, %add3A_119 : vector<256x8xf32>
    %reduce_sum3A_121 = arith.constant dense<0.000000e+00> : vector<8xf32>
    %reduce_sum3A_122 = vector.multi_reduction <add>, %slice3A_115, %reduce_sum3A_121 [0] : vector<256x8xf32> to vector<8xf32>
    %broadcast_in_dim3A_123 = vector.shape_cast %reduce_sum3A_122 : vector<8xf32> to vector<1x8xf32>
    %add3A_124 = arith.addf %add3A_114, %broadcast_in_dim3A_123 : vector<1x8xf32>
    %slice3A_125 = vector.extract_strided_slice %convert_element_type3A_87 {offsets = [768, 0], sizes = [256, 8], strides = [1, 1]} : vector<2048x8xf32> to vector<256x8xf32>
    %convert_element_type3A_126 = arith.truncf %slice3A_125 : vector<256x8xf32> to vector<256x8xbf16>
    %dot_general3A_127 = arith.constant dense<0.000000e+00> : vector<256x8xf32>
    %dot_general3A_128 = tpu.matmul %convert_element_type3A_92, %convert_element_type3A_126, %dot_general3A_127 {dimension_numbers = #tpu.dot_dimension_numbers<[1], [0], [0], [1], [0, 0, 1, 1], [], []>, transpose_lhs_hint = false} : vector<256x256xbf16>, vector<256x8xbf16>, vector<256x8xf32> -> vector<256x8xf32>
    %add3A_129 = vector.broadcast %add3A_124 : vector<1x8xf32> to vector<256x8xf32>
    %add3A_130 = arith.addf %dot_general3A_128, %add3A_129 : vector<256x8xf32>
    %reduce_sum3A_131 = arith.constant dense<0.000000e+00> : vector<8xf32>
    %reduce_sum3A_132 = vector.multi_reduction <add>, %slice3A_125, %reduce_sum3A_131 [0] : vector<256x8xf32> to vector<8xf32>
    %broadcast_in_dim3A_133 = vector.shape_cast %reduce_sum3A_132 : vector<8xf32> to vector<1x8xf32>
    %add3A_134 = arith.addf %add3A_124, %broadcast_in_dim3A_133 : vector<1x8xf32>
    %slice3A_135 = vector.extract_strided_slice %convert_element_type3A_87 {offsets = [1024, 0], sizes = [256, 8], strides = [1, 1]} : vector<2048x8xf32> to vector<256x8xf32>
    %convert_element_type3A_136 = arith.truncf %slice3A_135 : vector<256x8xf32> to vector<256x8xbf16>
    %dot_general3A_137 = arith.constant dense<0.000000e+00> : vector<256x8xf32>
    %dot_general3A_138 = tpu.matmul %convert_element_type3A_92, %convert_element_type3A_136, %dot_general3A_137 {dimension_numbers = #tpu.dot_dimension_numbers<[1], [0], [0], [1], [0, 0, 1, 1], [], []>, transpose_lhs_hint = false} : vector<256x256xbf16>, vector<256x8xbf16>, vector<256x8xf32> -> vector<256x8xf32>
    %add3A_139 = vector.broadcast %add3A_134 : vector<1x8xf32> to vector<256x8xf32>
    %add3A_140 = arith.addf %dot_general3A_138, %add3A_139 : vector<256x8xf32>
    %reduce_sum3A_141 = arith.constant dense<0.000000e+00> : vector<8xf32>
    %reduce_sum3A_142 = vector.multi_reduction <add>, %slice3A_135, %reduce_sum3A_141 [0] : vector<256x8xf32> to vector<8xf32>
    %broadcast_in_dim3A_143 = vector.shape_cast %reduce_sum3A_142 : vector<8xf32> to vector<1x8xf32>
    %add3A_144 = arith.addf %add3A_134, %broadcast_in_dim3A_143 : vector<1x8xf32>
    %slice3A_145 = vector.extract_strided_slice %convert_element_type3A_87 {offsets = [1280, 0], sizes = [256, 8], strides = [1, 1]} : vector<2048x8xf32> to vector<256x8xf32>
    %convert_element_type3A_146 = arith.truncf %slice3A_145 : vector<256x8xf32> to vector<256x8xbf16>
    %dot_general3A_147 = arith.constant dense<0.000000e+00> : vector<256x8xf32>
    %dot_general3A_148 = tpu.matmul %convert_element_type3A_92, %convert_element_type3A_146, %dot_general3A_147 {dimension_numbers = #tpu.dot_dimension_numbers<[1], [0], [0], [1], [0, 0, 1, 1], [], []>, transpose_lhs_hint = false} : vector<256x256xbf16>, vector<256x8xbf16>, vector<256x8xf32> -> vector<256x8xf32>
    %add3A_149 = vector.broadcast %add3A_144 : vector<1x8xf32> to vector<256x8xf32>
    %add3A_150 = arith.addf %dot_general3A_148, %add3A_149 : vector<256x8xf32>
    %reduce_sum3A_151 = arith.constant dense<0.000000e+00> : vector<8xf32>
    %reduce_sum3A_152 = vector.multi_reduction <add>, %slice3A_145, %reduce_sum3A_151 [0] : vector<256x8xf32> to vector<8xf32>
    %broadcast_in_dim3A_153 = vector.shape_cast %reduce_sum3A_152 : vector<8xf32> to vector<1x8xf32>
    %add3A_154 = arith.addf %add3A_144, %broadcast_in_dim3A_153 : vector<1x8xf32>
    %slice3A_155 = vector.extract_strided_slice %convert_element_type3A_87 {offsets = [1536, 0], sizes = [256, 8], strides = [1, 1]} : vector<2048x8xf32> to vector<256x8xf32>
    %convert_element_type3A_156 = arith.truncf %slice3A_155 : vector<256x8xf32> to vector<256x8xbf16>
    %dot_general3A_157 = arith.constant dense<0.000000e+00> : vector<256x8xf32>
    %dot_general3A_158 = tpu.matmul %convert_element_type3A_92, %convert_element_type3A_156, %dot_general3A_157 {dimension_numbers = #tpu.dot_dimension_numbers<[1], [0], [0], [1], [0, 0, 1, 1], [], []>, transpose_lhs_hint = false} : vector<256x256xbf16>, vector<256x8xbf16>, vector<256x8xf32> -> vector<256x8xf32>
    %add3A_159 = vector.broadcast %add3A_154 : vector<1x8xf32> to vector<256x8xf32>
    %add3A_160 = arith.addf %dot_general3A_158, %add3A_159 : vector<256x8xf32>
    %reduce_sum3A_161 = arith.constant dense<0.000000e+00> : vector<8xf32>
    %reduce_sum3A_162 = vector.multi_reduction <add>, %slice3A_155, %reduce_sum3A_161 [0] : vector<256x8xf32> to vector<8xf32>
    %broadcast_in_dim3A_163 = vector.shape_cast %reduce_sum3A_162 : vector<8xf32> to vector<1x8xf32>
    %add3A_164 = arith.addf %add3A_154, %broadcast_in_dim3A_163 : vector<1x8xf32>
    %slice3A_165 = vector.extract_strided_slice %convert_element_type3A_87 {offsets = [1792, 0], sizes = [256, 8], strides = [1, 1]} : vector<2048x8xf32> to vector<256x8xf32>
    %convert_element_type3A_166 = arith.truncf %slice3A_165 : vector<256x8xf32> to vector<256x8xbf16>
    %dot_general3A_167 = arith.constant dense<0.000000e+00> : vector<256x8xf32>
    %dot_general3A_168 = tpu.matmul %convert_element_type3A_92, %convert_element_type3A_166, %dot_general3A_167 {dimension_numbers = #tpu.dot_dimension_numbers<[1], [0], [0], [1], [0, 0, 1, 1], [], []>, transpose_lhs_hint = false} : vector<256x256xbf16>, vector<256x8xbf16>, vector<256x8xf32> -> vector<256x8xf32>
    %add3A_169 = vector.broadcast %add3A_164 : vector<1x8xf32> to vector<256x8xf32>
    %add3A_170 = arith.addf %dot_general3A_168, %add3A_169 : vector<256x8xf32>
    %reduce_sum3A_171 = arith.constant dense<0.000000e+00> : vector<8xf32>
    %reduce_sum3A_172 = vector.multi_reduction <add>, %slice3A_165, %reduce_sum3A_171 [0] : vector<256x8xf32> to vector<8xf32>
    %broadcast_in_dim3A_173 = vector.shape_cast %reduce_sum3A_172 : vector<8xf32> to vector<1x8xf32>
    %add3A_174 = arith.addf %add3A_164, %broadcast_in_dim3A_173 : vector<1x8xf32>
    %concatenate3A_175 = tpu.concatenate %add3A_100, %add3A_110, %add3A_120, %add3A_130, %add3A_140, %add3A_150, %add3A_160, %add3A_170 in 0 : vector<256x8xf32>, vector<256x8xf32>, vector<256x8xf32>, vector<256x8xf32>, vector<256x8xf32>, vector<256x8xf32>, vector<256x8xf32>, vector<256x8xf32> -> vector<2048x8xf32>
    %add3A_176 = arith.constant 2.550000e+02 : f32
    %add3A_177 = vector.broadcast %add3A_176 : f32 to vector<1x8xf32>
    %add3A_178 = arith.addf %add3A_174, %add3A_177 : vector<1x8xf32>
    %mul3A_179 = arith.constant 3.906250e-03 : f32
    %mul3A_180 = vector.broadcast %mul3A_179 : f32 to vector<1x8xf32>
    %mul3A_181 = arith.mulf %add3A_178, %mul3A_180 : vector<1x8xf32>
    %floor3A = math.floor %mul3A_181 : vector<1x8xf32>
    %iota3A_182 = tpu.iota {dimensions = array<i32: 0>} : vector<8x8xi32>
    %iota3A_183 = tpu.iota {dimensions = array<i32: 1>} : vector<8x8xi32>
    %lt3A_184 = arith.cmpi slt, %iota3A_182, %iota3A_183 : vector<8x8xi32>
    %convert_element_type3A_185 = arith.extui %lt3A_184 : vector<8x8xi1> to vector<8x8xi32>
    %convert_element_type3A_186 = arith.sitofp %convert_element_type3A_185 : vector<8x8xi32> to vector<8x8xf32>
    %convert_element_type3A_187 = arith.truncf %convert_element_type3A_186 : vector<8x8xf32> to vector<8x8xbf16>
    %convert_element_type3A_188 = arith.truncf %floor3A : vector<1x8xf32> to vector<1x8xbf16>
    %dot_general3A_189 = arith.constant dense<0.000000e+00> : vector<1x8xf32>
    %dot_general3A_190 = tpu.matmul %convert_element_type3A_188, %convert_element_type3A_187, %dot_general3A_189 {dimension_numbers = #tpu.dot_dimension_numbers<[1], [0], [0], [1], [0, 0, 1, 1], [], []>, transpose_lhs_hint = false} : vector<1x8xbf16>, vector<8x8xbf16>, vector<1x8xf32> -> vector<1x8xf32>
    %reduce_sum3A_191 = arith.constant dense<0.000000e+00> : vector<1xf32>
    %reduce_sum3A_192 = vector.multi_reduction <add>, %floor3A, %reduce_sum3A_191 [1] : vector<1x8xf32> to vector<1xf32>
    %broadcast_in_dim3A_193 = vector.shape_cast %reduce_sum3A_192 : vector<1xf32> to vector<1x1xf32>
    %mul3A_194 = arith.constant 2.560000e+02 : f32
    %mul3A_195 = vector.broadcast %mul3A_194 : f32 to vector<1x8xf32>
    %mul3A_196 = arith.mulf %dot_general3A_190, %mul3A_195 : vector<1x8xf32>
    %add3A_197 = vector.broadcast %mul3A_196 : vector<1x8xf32> to vector<2048x8xf32>
    %add3A_198 = arith.addf %add3A_197, %concatenate3A_175 : vector<2048x8xf32>
    %jit3A_199 = arith.constant 0.000000e+00 : f32
    %broadcast_in_dim3A_200 = vector.broadcast %jit3A_199 : f32 to vector<2048x8xf32>
    %select_n3A_201 = arith.select %eq3A_46, %add3A_198, %broadcast_in_dim3A_200 : vector<2048x8xi1>, vector<2048x8xf32>
    %reduce_sum3A_202 = arith.constant dense<0.000000e+00> : vector<2048xf32>
    %reduce_sum3A_203 = vector.multi_reduction <add>, %select_n3A_201, %reduce_sum3A_202 [1] : vector<2048x8xf32> to vector<2048xf32>
    %broadcast_in_dim3A_204 = vector.shape_cast %reduce_sum3A_203 : vector<2048xf32> to vector<2048x1xf32>
    %add3A_205 = vector.broadcast %mul3A_196 : vector<1x8xf32> to vector<2048x8xf32>
    %add3A_206 = arith.addf %add3A_205, %concatenate3A_175 : vector<2048x8xf32>
    %jit3A_207 = arith.constant 0.000000e+00 : f32
    %broadcast_in_dim3A_208 = vector.broadcast %jit3A_207 : f32 to vector<2048x8xf32>
    %select_n3A_209 = arith.select %eq3A_62, %add3A_206, %broadcast_in_dim3A_208 : vector<2048x8xi1>, vector<2048x8xf32>
    %reduce_sum3A_210 = arith.constant dense<0.000000e+00> : vector<2048xf32>
    %reduce_sum3A_211 = vector.multi_reduction <add>, %select_n3A_209, %reduce_sum3A_210 [1] : vector<2048x8xf32> to vector<2048xf32>
    %broadcast_in_dim3A_212 = vector.shape_cast %reduce_sum3A_211 : vector<2048xf32> to vector<2048x1xf32>
    %concatenate3A_213 = tpu.concatenate %broadcast_in_dim3A_204, %broadcast_in_dim3A_212 in 1 : vector<2048x1xf32>, vector<2048x1xf32> -> vector<2048x2xf32>
    %convert_element_type3A_214 = arith.fptosi %concatenate3A_213 : vector<2048x2xf32> to vector<2048x2xi32>
    %swap3A_215 = arith.constant 0 : index
    %swap3A_216 = arith.constant 0 : index
    %swap3A_217 = vector.load %arg5[%swap3A_215, %swap3A_216] : memref<2048x2xi32, #tpu.memory_space<vmem>>, vector<2048x2xi32>
    tpu.vector_store %arg5[%swap3A_215, %swap3A_216], %convert_element_type3A_214 {strides = array<i32>} : memref<2048x2xi32, #tpu.memory_space<vmem>>, vector<2048x2xi32>,
    %add3A_218 = arith.addf %dot_general3A_190, %floor3A : vector<1x8xf32>
    %gt3A = arith.constant 0.000000e+00 : f32
    %gt3A_219 = vector.broadcast %gt3A : f32 to vector<1x8xf32>
    %gt3A_220 = arith.cmpf ogt, %floor3A, %gt3A_219 : vector<1x8xf32>
    %convert_element_type3A_221 = arith.extui %gt3A_220 : vector<1x8xi1> to vector<1x8xi32>
    %convert_element_type3A_222 = arith.sitofp %convert_element_type3A_221 : vector<1x8xi32> to vector<1x8xf32>
    %iota3A_223 = tpu.iota {dimensions = array<i32: 0>} : vector<32x8xi32>
    %convert_element_type3A_224 = arith.sitofp %iota3A_223 : vector<32x8xi32> to vector<32x8xf32>
    %ge3A_225 = vector.broadcast %add3A_218 : vector<1x8xf32> to vector<32x8xf32>
    %ge3A_226 = arith.cmpf oge, %convert_element_type3A_224, %ge3A_225 : vector<32x8xf32>
    %convert_element_type3A_227 = arith.extui %ge3A_226 : vector<32x8xi1> to vector<32x8xi32>
    %convert_element_type3A_228 = arith.sitofp %convert_element_type3A_227 : vector<32x8xi32> to vector<32x8xf32>
    %reduce_sum3A_229 = arith.constant dense<0.000000e+00> : vector<32xf32>
    %reduce_sum3A_230 = vector.multi_reduction <add>, %convert_element_type3A_228, %reduce_sum3A_229 [1] : vector<32x8xf32> to vector<32xf32>
    %broadcast_in_dim3A_231 = vector.shape_cast %reduce_sum3A_230 : vector<32xf32> to vector<32x1xf32>
    %sub3A_232 = arith.constant 1.000000e+00 : f32
    %sub3A_233 = vector.broadcast %sub3A_232 : f32 to vector<1x1xf32>
    %sub3A_234 = arith.subf %broadcast_in_dim3A_193, %sub3A_233 : vector<1x1xf32>
    %le3A = vector.broadcast %sub3A_234 : vector<1x1xf32> to vector<1x8xf32>
    %le3A_235 = arith.cmpf ole, %add3A_218, %le3A : vector<1x8xf32>
    %convert_element_type3A_236 = arith.extui %le3A_235 : vector<1x8xi1> to vector<1x8xi32>
    %convert_element_type3A_237 = arith.sitofp %convert_element_type3A_236 : vector<1x8xi32> to vector<1x8xf32>
    %reduce_sum3A_238 = arith.constant dense<0.000000e+00> : vector<1xf32>
    %reduce_sum3A_239 = vector.multi_reduction <add>, %convert_element_type3A_237, %reduce_sum3A_238 [1] : vector<1x8xf32> to vector<1xf32>
    %broadcast_in_dim3A_240 = vector.shape_cast %reduce_sum3A_239 : vector<1xf32> to vector<1x1xf32>
    %min3A = vector.broadcast %broadcast_in_dim3A_240 : vector<1x1xf32> to vector<32x1xf32>
    %min3A_241 = arith.minimumf %broadcast_in_dim3A_231, %min3A : vector<32x1xf32>
    %iota3A_242 = tpu.iota {dimensions = array<i32: 1>} : vector<32x8xi32>
    %convert_element_type3A_243 = arith.sitofp %iota3A_242 : vector<32x8xi32> to vector<32x8xf32>
    %eq3A_244 = vector.broadcast %min3A_241 : vector<32x1xf32> to vector<32x8xf32>
    %eq3A_245 = arith.cmpf oeq, %convert_element_type3A_243, %eq3A_244 : vector<32x8xf32>
    %convert_element_type3A_246 = arith.extui %eq3A_245 : vector<32x8xi1> to vector<32x8xi32>
    %convert_element_type3A_247 = arith.sitofp %convert_element_type3A_246 : vector<32x8xi32> to vector<32x8xf32>
    %mul3A_248 = vector.broadcast %dot_general3A_190 : vector<1x8xf32> to vector<32x8xf32>
    %mul3A_249 = arith.mulf %convert_element_type3A_247, %mul3A_248 : vector<32x8xf32>
    %reduce_sum3A_250 = arith.constant dense<0.000000e+00> : vector<32xf32>
    %reduce_sum3A_251 = vector.multi_reduction <add>, %mul3A_249, %reduce_sum3A_250 [1] : vector<32x8xf32> to vector<32xf32>
    %broadcast_in_dim3A_252 = vector.shape_cast %reduce_sum3A_251 : vector<32xf32> to vector<32x1xf32>
    %mul3A_253 = vector.broadcast %add3A_218 : vector<1x8xf32> to vector<32x8xf32>
    %mul3A_254 = arith.mulf %convert_element_type3A_247, %mul3A_253 : vector<32x8xf32>
    %reduce_sum3A_255 = arith.constant dense<0.000000e+00> : vector<32xf32>
    %reduce_sum3A_256 = vector.multi_reduction <add>, %mul3A_254, %reduce_sum3A_255 [1] : vector<32x8xf32> to vector<32xf32>
    %broadcast_in_dim3A_257 = vector.shape_cast %reduce_sum3A_256 : vector<32xf32> to vector<32x1xf32>
    %ge3A_258 = vector.broadcast %add3A_218 : vector<1x8xf32> to vector<32x8xf32>
    %ge3A_259 = arith.cmpf oge, %convert_element_type3A_224, %ge3A_258 : vector<32x8xf32>
    %convert_element_type3A_260 = arith.extui %ge3A_259 : vector<32x8xi1> to vector<32x8xi32>
    %convert_element_type3A_261 = arith.sitofp %convert_element_type3A_260 : vector<32x8xi32> to vector<32x8xf32>
    %mul3A_262 = vector.broadcast %convert_element_type3A_222 : vector<1x8xf32> to vector<32x8xf32>
    %mul3A_263 = arith.mulf %convert_element_type3A_261, %mul3A_262 : vector<32x8xf32>
    %reduce_sum3A_264 = arith.constant dense<0.000000e+00> : vector<32xf32>
    %reduce_sum3A_265 = vector.multi_reduction <add>, %mul3A_263, %reduce_sum3A_264 [1] : vector<32x8xf32> to vector<32xf32>
    %broadcast_in_dim3A_266 = vector.shape_cast %reduce_sum3A_265 : vector<32xf32> to vector<32x1xf32>
    %iota3A_267 = tpu.iota {dimensions = array<i32: 0>} : vector<32x1xi32>
    %eq3A_268 = arith.constant 24 : i32
    %eq3A_269 = vector.broadcast %eq3A_268 : i32 to vector<32x1xi32>
    %eq3A_270 = arith.cmpi eq, %iota3A_267, %eq3A_269 : vector<32x1xi32>
    %broadcast_in_dim3A_271 = vector.shape_cast %broadcast_in_dim3A_193 : vector<1x1xf32> to vector<1x1xf32>
    %broadcast_in_dim3A_272 = vector.broadcast %broadcast_in_dim3A_271 : vector<1x1xf32> to vector<32x1xf32>
    %select_n3A_273 = arith.select %eq3A_270, %broadcast_in_dim3A_272, %min3A_241 : vector<32x1xi1>, vector<32x1xf32>
    %concatenate3A_274 = tpu.concatenate %select_n3A_273, %broadcast_in_dim3A_252, %broadcast_in_dim3A_257, %broadcast_in_dim3A_266 in 0 : vector<32x1xf32>, vector<32x1xf32>, vector<32x1xf32>, vector<32x1xf32> -> vector<128x1xf32>
    %convert_element_type3A_275 = arith.fptosi %concatenate3A_274 : vector<128x1xf32> to vector<128x1xi32>
    %broadcast_in_dim3A_276 = vector.shape_cast %convert_element_type3A_275 : vector<128x1xi32> to vector<128x1xi32>
    %broadcast_in_dim3A_277 = vector.broadcast %broadcast_in_dim3A_276 : vector<128x1xi32> to vector<128x128xi32>
    %swap3A_278 = arith.constant 0 : index
    %swap3A_279 = arith.constant 0 : index
    %swap3A_280 = vector.load %arg7[%swap3A_278, %swap3A_279] : memref<128x128xi32, #tpu.memory_space<vmem>>, vector<128x128xi32>
    tpu.vector_store %arg7[%swap3A_278, %swap3A_279], %broadcast_in_dim3A_277 {strides = array<i32>} : memref<128x128xi32, #tpu.memory_space<vmem>>, vector<128x128xi32>,
    return
  }
}

module attributes {stable_mosaic.version = 14 : i64} {
  func.func @_combine_kernel(%arg0: i32, %arg1: memref<256x768xf32, #tpu.memory_space<vmem>>, %arg2: memref<256x2xf32, #tpu.memory_space<vmem>>, %arg3: memref<256x384xi32, #tpu.memory_space<vmem>>, %arg4: memref<256x384xi32, #tpu.memory_space<vmem>>, %arg5: memref<256x768xf32, #tpu.memory_space<vmem>>) attributes {dimension_semantics = [#tpu.dimension_semantics<arbitrary>], iteration_bounds = array<i64: 8>, scalar_prefetch = 0 : i64, scratch_operands = 0 : i64, tpu.core_type = #tpu.core_type<tc>, window_params = [{transform_indices = @transform_0, window_bounds = array<i64: 256, 768>}, {transform_indices = @transform_1, window_bounds = array<i64: 256, 2>}, {transform_indices = @transform_2, window_bounds = array<i64: 256, 384>}, {transform_indices = @transform_3, window_bounds = array<i64: 256, 384>}, {transform_indices = @transform_4, window_bounds = array<i64: 256, 768>}]} {
    %get3A = arith.constant 0 : index
    %get3A_0 = arith.constant 0 : index
    %get3A_1 = vector.load %arg2[%get3A, %get3A_0] : memref<256x2xf32, #tpu.memory_space<vmem>>, vector<256x2xf32>
    %get3A_2 = arith.constant 0 : index
    %get3A_3 = arith.constant 0 : index
    %get3A_4 = vector.load %arg3[%get3A_2, %get3A_3] : memref<256x384xi32, #tpu.memory_space<vmem>>, vector<256x384xi32>
    %shift_left3A = arith.constant 16 : i32
    %shift_left3A_5 = vector.broadcast %shift_left3A : i32 to vector<256x384xi32>
    %shift_left3A_6 = arith.shli %get3A_4, %shift_left3A_5 : vector<256x384xi32>
    %bitcast_convert_type3A = tpu.bitcast %shift_left3A_6 : vector<256x384xi32> -> vector<256x384xf32>
    %and3A = arith.constant -65536 : i32
    %and3A_7 = vector.broadcast %and3A : i32 to vector<256x384xi32>
    %and3A_8 = arith.andi %get3A_4, %and3A_7 : vector<256x384xi32>
    %bitcast_convert_type3A_9 = tpu.bitcast %and3A_8 : vector<256x384xi32> -> vector<256x384xf32>
    %concatenate3A = tpu.concatenate %bitcast_convert_type3A, %bitcast_convert_type3A_9 in 1 : vector<256x384xf32>, vector<256x384xf32> -> vector<256x768xf32>
    %get3A_10 = arith.constant 0 : index
    %get3A_11 = arith.constant 0 : index
    %get3A_12 = vector.load %arg4[%get3A_10, %get3A_11] : memref<256x384xi32, #tpu.memory_space<vmem>>, vector<256x384xi32>
    %shift_left3A_13 = arith.constant 16 : i32
    %shift_left3A_14 = vector.broadcast %shift_left3A_13 : i32 to vector<256x384xi32>
    %shift_left3A_15 = arith.shli %get3A_12, %shift_left3A_14 : vector<256x384xi32>
    %bitcast_convert_type3A_16 = tpu.bitcast %shift_left3A_15 : vector<256x384xi32> -> vector<256x384xf32>
    %and3A_17 = arith.constant -65536 : i32
    %and3A_18 = vector.broadcast %and3A_17 : i32 to vector<256x384xi32>
    %and3A_19 = arith.andi %get3A_12, %and3A_18 : vector<256x384xi32>
    %bitcast_convert_type3A_20 = tpu.bitcast %and3A_19 : vector<256x384xi32> -> vector<256x384xf32>
    %concatenate3A_21 = tpu.concatenate %bitcast_convert_type3A_16, %bitcast_convert_type3A_20 in 1 : vector<256x384xf32>, vector<256x384xf32> -> vector<256x768xf32>
    %get3A_22 = arith.constant 0 : index
    %get3A_23 = arith.constant 0 : index
    %get3A_24 = vector.load %arg1[%get3A_22, %get3A_23] : memref<256x768xf32, #tpu.memory_space<vmem>>, vector<256x768xf32>
    %slice3A = vector.extract_strided_slice %get3A_1 {offsets = [0, 0], sizes = [256, 1], strides = [1, 1]} : vector<256x2xf32> to vector<256x1xf32>
    %mul3A = vector.broadcast %slice3A : vector<256x1xf32> to vector<256x768xf32>
    %mul3A_25 = arith.mulf %mul3A, %concatenate3A : vector<256x768xf32>
    %add3A = arith.addf %get3A_24, %mul3A_25 : vector<256x768xf32>
    %slice3A_26 = vector.extract_strided_slice %get3A_1 {offsets = [0, 1], sizes = [256, 1], strides = [1, 1]} : vector<256x2xf32> to vector<256x1xf32>
    %mul3A_27 = vector.broadcast %slice3A_26 : vector<256x1xf32> to vector<256x768xf32>
    %mul3A_28 = arith.mulf %mul3A_27, %concatenate3A_21 : vector<256x768xf32>
    %add3A_29 = arith.addf %add3A, %mul3A_28 : vector<256x768xf32>
    %swap3A = arith.constant 0 : index
    %swap3A_30 = arith.constant 0 : index
    %swap3A_31 = vector.load %arg5[%swap3A, %swap3A_30] : memref<256x768xf32, #tpu.memory_space<vmem>>, vector<256x768xf32>
    tpu.vector_store %arg5[%swap3A, %swap3A_30], %add3A_29 {strides = array<i32>} : memref<256x768xf32, #tpu.memory_space<vmem>>, vector<256x768xf32>,
    return
  }
  func.func @transform_0(%arg0: i32) -> (i32, i32) {
    %c0_i32 = arith.constant 0 : i32
    %c0_i32_0 = arith.constant 0 : i32
    return %arg0, %c0_i32 : i32, i32
  }
  func.func @transform_1(%arg0: i32) -> (i32, i32) {
    %c0_i32 = arith.constant 0 : i32
    %c0_i32_0 = arith.constant 0 : i32
    return %arg0, %c0_i32 : i32, i32
  }
  func.func @transform_2(%arg0: i32) -> (i32, i32) {
    %c0_i32 = arith.constant 0 : i32
    %c0_i32_0 = arith.constant 0 : i32
    return %arg0, %c0_i32 : i32, i32
  }
  func.func @transform_3(%arg0: i32) -> (i32, i32) {
    %add3A = arith.constant 8 : i32
    %add3A_0 = arith.addi %arg0, %add3A : i32
    %c0_i32 = arith.constant 0 : i32
    %c0_i32_1 = arith.constant 0 : i32
    return %add3A_0, %c0_i32 : i32, i32
  }
  func.func @transform_4(%arg0: i32) -> (i32, i32) {
    %c0_i32 = arith.constant 0 : i32
    %c0_i32_0 = arith.constant 0 : i32
    return %arg0, %c0_i32 : i32, i32
  }
}

module attributes {stable_mosaic.version = 14 : i64} {
  func.func @_ffn_kernel(%arg0: i32, %arg1: memref<128xi32, #tpu.memory_space<smem>>, %arg2: memref<256x384xi32, #tpu.memory_space<vmem>>, %arg3: memref<8x768x2048xf32, #tpu.memory_space<hbm>>, %arg4: memref<8x2048x768xf32, #tpu.memory_space<hbm>>, %arg5: memref<256x384xi32, #tpu.memory_space<vmem>>, %arg6: memref<2x768x2048xf32, #tpu.memory_space<vmem>>, %arg7: memref<2x2048x768xf32, #tpu.memory_space<vmem>>, %arg8: memref<2x4x!tpu.dma_semaphore, #tpu.memory_space<semaphore_mem>>, %arg9: memref<2x4x!tpu.dma_semaphore, #tpu.memory_space<semaphore_mem>>) attributes {dimension_semantics = [#tpu.dimension_semantics<arbitrary>], iteration_bounds = array<i64: 24>, scalar_prefetch = 1 : i64, scratch_operands = 4 : i64, tpu.core_type = #tpu.core_type<tc>, window_params = [{transform_indices = @transform_0, window_bounds = array<i64: 256, 384>}, {}, {}, {transform_indices = @transform_3, window_bounds = array<i64: 256, 384>}]} {
    %get3A = arith.constant 24 : index
    %get3A_0 = memref.load %arg1[%get3A] : memref<128xi32, #tpu.memory_space<smem>>
    %lt3A = arith.cmpi slt, %arg0, %get3A_0 : i32
    %convert_element_type3A = arith.extui %lt3A : i1 to i32
    %cond3A = arith.constant 0 : i32
    %cond3A_1 = arith.cmpi ne, %convert_element_type3A, %cond3A : i32
    scf.if %cond3A_1 {
      %get3A_2 = arith.index_cast %arg0 : i32 to index
      %get3A_3 = memref.load %arg1[%get3A_2] : memref<128xi32, #tpu.memory_space<smem>>
      %add3A = arith.constant 32 : i32
      %add3A_4 = arith.addi %add3A, %arg0 : i32
      %get3A_5 = arith.index_cast %add3A_4 : i32 to index
      %get3A_6 = memref.load %arg1[%get3A_5] : memref<128xi32, #tpu.memory_space<smem>>
      %add3A_7 = arith.constant 64 : i32
      %add3A_8 = arith.addi %add3A_7, %arg0 : i32
      %get3A_9 = arith.index_cast %add3A_8 : i32 to index
      %get3A_10 = memref.load %arg1[%get3A_9] : memref<128xi32, #tpu.memory_space<smem>>
      %add3A_11 = arith.constant 96 : i32
      %add3A_12 = arith.addi %add3A_11, %arg0 : i32
      %get3A_13 = arith.index_cast %add3A_12 : i32 to index
      %get3A_14 = memref.load %arg1[%get3A_13] : memref<128xi32, #tpu.memory_space<smem>>
      %rem3A = arith.constant 2 : i32
      %rem3A_15 = arith.remsi %get3A_14, %rem3A : i32
      %sub3A = arith.constant 1 : i32
      %sub3A_16 = arith.subi %sub3A, %rem3A_15 : i32
      %eq3A = arith.constant 0 : i32
      %eq3A_17 = arith.cmpi eq, %arg0, %eq3A : i32
      %convert_element_type3A_18 = arith.extui %eq3A_17 : i1 to i32
      %cond3A_19 = arith.constant 0 : i32
      %cond3A_20 = arith.cmpi ne, %convert_element_type3A_18, %cond3A_19 : i32
      scf.if %cond3A_20 {
        %dma_start3A = arith.constant 0 : i32
        %dma_start3A_82 = tpu.memref_slice %arg8[%rem3A_15, %dma_start3A] : memref<2x4x!tpu.dma_semaphore, #tpu.memory_space<semaphore_mem>> -> memref<1x1x!tpu.dma_semaphore, #tpu.memory_space<semaphore_mem>>
        %dma_start3A_83 = tpu.memref_squeeze %dma_start3A_82 : memref<1x1x!tpu.dma_semaphore, #tpu.memory_space<semaphore_mem>> -> memref<!tpu.dma_semaphore, #tpu.memory_space<semaphore_mem>>
        %dma_start3A_84 = arith.constant 0 : i32
        %dma_start3A_85 = arith.constant 0 : i32
        %dma_start3A_86 = tpu.memref_slice %arg6[%rem3A_15, %dma_start3A_84, %dma_start3A_85] : memref<2x768x2048xf32, #tpu.memory_space<vmem>> -> memref<1x768x512xf32, #tpu.memory_space<vmem>>
        %dma_start3A_87 = tpu.memref_squeeze %dma_start3A_86 : memref<1x768x512xf32, #tpu.memory_space<vmem>> -> memref<768x512xf32, #tpu.memory_space<vmem>>
        %dma_start3A_88 = arith.constant 0 : i32
        %dma_start3A_89 = arith.constant 0 : i32
        %dma_start3A_90 = tpu.memref_slice %arg3[%get3A_3, %dma_start3A_88, %dma_start3A_89] : memref<8x768x2048xf32, #tpu.memory_space<hbm>> -> memref<1x768x512xf32, #tpu.memory_space<hbm>>
        %dma_start3A_91 = tpu.memref_squeeze %dma_start3A_90 : memref<1x768x512xf32, #tpu.memory_space<hbm>> -> memref<768x512xf32, #tpu.memory_space<hbm>>
        tpu.enqueue_dma source(%dma_start3A_91 : memref<768x512xf32, #tpu.memory_space<hbm>>) target(%dma_start3A_87 : memref<768x512xf32, #tpu.memory_space<vmem>>) target_semaphore(%dma_start3A_83 : memref<!tpu.dma_semaphore, #tpu.memory_space<semaphore_mem>>)
        %dma_start3A_92 = arith.constant 0 : i32
        %dma_start3A_93 = tpu.memref_slice %arg9[%rem3A_15, %dma_start3A_92] : memref<2x4x!tpu.dma_semaphore, #tpu.memory_space<semaphore_mem>> -> memref<1x1x!tpu.dma_semaphore, #tpu.memory_space<semaphore_mem>>
        %dma_start3A_94 = tpu.memref_squeeze %dma_start3A_93 : memref<1x1x!tpu.dma_semaphore, #tpu.memory_space<semaphore_mem>> -> memref<!tpu.dma_semaphore, #tpu.memory_space<semaphore_mem>>
        %dma_start3A_95 = arith.constant 0 : i32
        %dma_start3A_96 = arith.constant 0 : i32
        %dma_start3A_97 = tpu.memref_slice %arg7[%rem3A_15, %dma_start3A_95, %dma_start3A_96] : memref<2x2048x768xf32, #tpu.memory_space<vmem>> -> memref<1x512x768xf32, #tpu.memory_space<vmem>>
        %dma_start3A_98 = tpu.memref_squeeze %dma_start3A_97 : memref<1x512x768xf32, #tpu.memory_space<vmem>> -> memref<512x768xf32, #tpu.memory_space<vmem>>
        %dma_start3A_99 = arith.constant 0 : i32
        %dma_start3A_100 = arith.constant 0 : i32
        %dma_start3A_101 = tpu.memref_slice %arg4[%get3A_3, %dma_start3A_99, %dma_start3A_100] : memref<8x2048x768xf32, #tpu.memory_space<hbm>> -> memref<1x512x768xf32, #tpu.memory_space<hbm>>
        %dma_start3A_102 = tpu.memref_squeeze %dma_start3A_101 : memref<1x512x768xf32, #tpu.memory_space<hbm>> -> memref<512x768xf32, #tpu.memory_space<hbm>>
        tpu.enqueue_dma source(%dma_start3A_102 : memref<512x768xf32, #tpu.memory_space<hbm>>) target(%dma_start3A_98 : memref<512x768xf32, #tpu.memory_space<vmem>>) target_semaphore(%dma_start3A_94 : memref<!tpu.dma_semaphore, #tpu.memory_space<semaphore_mem>>)
        %dma_start3A_103 = arith.constant 1 : i32
        %dma_start3A_104 = tpu.memref_slice %arg8[%rem3A_15, %dma_start3A_103] : memref<2x4x!tpu.dma_semaphore, #tpu.memory_space<semaphore_mem>> -> memref<1x1x!tpu.dma_semaphore, #tpu.memory_space<semaphore_mem>>
        %dma_start3A_105 = tpu.memref_squeeze %dma_start3A_104 : memref<1x1x!tpu.dma_semaphore, #tpu.memory_space<semaphore_mem>> -> memref<!tpu.dma_semaphore, #tpu.memory_space<semaphore_mem>>
        %dma_start3A_106 = arith.constant 0 : i32
        %dma_start3A_107 = arith.constant 512 : i32
        %dma_start3A_108 = tpu.memref_slice %arg6[%rem3A_15, %dma_start3A_106, %dma_start3A_107] : memref<2x768x2048xf32, #tpu.memory_space<vmem>> -> memref<1x768x512xf32, #tpu.memory_space<vmem>>
        %dma_start3A_109 = tpu.memref_squeeze %dma_start3A_108 : memref<1x768x512xf32, #tpu.memory_space<vmem>> -> memref<768x512xf32, #tpu.memory_space<vmem>>
        %dma_start3A_110 = arith.constant 0 : i32
        %dma_start3A_111 = arith.constant 512 : i32
        %dma_start3A_112 = tpu.memref_slice %arg3[%get3A_3, %dma_start3A_110, %dma_start3A_111] : memref<8x768x2048xf32, #tpu.memory_space<hbm>> -> memref<1x768x512xf32, #tpu.memory_space<hbm>>
        %dma_start3A_113 = tpu.memref_squeeze %dma_start3A_112 : memref<1x768x512xf32, #tpu.memory_space<hbm>> -> memref<768x512xf32, #tpu.memory_space<hbm>>
        tpu.enqueue_dma source(%dma_start3A_113 : memref<768x512xf32, #tpu.memory_space<hbm>>) target(%dma_start3A_109 : memref<768x512xf32, #tpu.memory_space<vmem>>) target_semaphore(%dma_start3A_105 : memref<!tpu.dma_semaphore, #tpu.memory_space<semaphore_mem>>)
        %dma_start3A_114 = arith.constant 1 : i32
        %dma_start3A_115 = tpu.memref_slice %arg9[%rem3A_15, %dma_start3A_114] : memref<2x4x!tpu.dma_semaphore, #tpu.memory_space<semaphore_mem>> -> memref<1x1x!tpu.dma_semaphore, #tpu.memory_space<semaphore_mem>>
        %dma_start3A_116 = tpu.memref_squeeze %dma_start3A_115 : memref<1x1x!tpu.dma_semaphore, #tpu.memory_space<semaphore_mem>> -> memref<!tpu.dma_semaphore, #tpu.memory_space<semaphore_mem>>
        %dma_start3A_117 = arith.constant 512 : i32
        %dma_start3A_118 = arith.constant 0 : i32
        %dma_start3A_119 = tpu.memref_slice %arg7[%rem3A_15, %dma_start3A_117, %dma_start3A_118] : memref<2x2048x768xf32, #tpu.memory_space<vmem>> -> memref<1x512x768xf32, #tpu.memory_space<vmem>>
        %dma_start3A_120 = tpu.memref_squeeze %dma_start3A_119 : memref<1x512x768xf32, #tpu.memory_space<vmem>> -> memref<512x768xf32, #tpu.memory_space<vmem>>
        %dma_start3A_121 = arith.constant 512 : i32
        %dma_start3A_122 = arith.constant 0 : i32
        %dma_start3A_123 = tpu.memref_slice %arg4[%get3A_3, %dma_start3A_121, %dma_start3A_122] : memref<8x2048x768xf32, #tpu.memory_space<hbm>> -> memref<1x512x768xf32, #tpu.memory_space<hbm>>
        %dma_start3A_124 = tpu.memref_squeeze %dma_start3A_123 : memref<1x512x768xf32, #tpu.memory_space<hbm>> -> memref<512x768xf32, #tpu.memory_space<hbm>>
        tpu.enqueue_dma source(%dma_start3A_124 : memref<512x768xf32, #tpu.memory_space<hbm>>) target(%dma_start3A_120 : memref<512x768xf32, #tpu.memory_space<vmem>>) target_semaphore(%dma_start3A_116 : memref<!tpu.dma_semaphore, #tpu.memory_space<semaphore_mem>>)
        %dma_start3A_125 = arith.constant 2 : i32
        %dma_start3A_126 = tpu.memref_slice %arg8[%rem3A_15, %dma_start3A_125] : memref<2x4x!tpu.dma_semaphore, #tpu.memory_space<semaphore_mem>> -> memref<1x1x!tpu.dma_semaphore, #tpu.memory_space<semaphore_mem>>
        %dma_start3A_127 = tpu.memref_squeeze %dma_start3A_126 : memref<1x1x!tpu.dma_semaphore, #tpu.memory_space<semaphore_mem>> -> memref<!tpu.dma_semaphore, #tpu.memory_space<semaphore_mem>>
        %dma_start3A_128 = arith.constant 0 : i32
        %dma_start3A_129 = arith.constant 1024 : i32
        %dma_start3A_130 = tpu.memref_slice %arg6[%rem3A_15, %dma_start3A_128, %dma_start3A_129] : memref<2x768x2048xf32, #tpu.memory_space<vmem>> -> memref<1x768x512xf32, #tpu.memory_space<vmem>>
        %dma_start3A_131 = tpu.memref_squeeze %dma_start3A_130 : memref<1x768x512xf32, #tpu.memory_space<vmem>> -> memref<768x512xf32, #tpu.memory_space<vmem>>
        %dma_start3A_132 = arith.constant 0 : i32
        %dma_start3A_133 = arith.constant 1024 : i32
        %dma_start3A_134 = tpu.memref_slice %arg3[%get3A_3, %dma_start3A_132, %dma_start3A_133] : memref<8x768x2048xf32, #tpu.memory_space<hbm>> -> memref<1x768x512xf32, #tpu.memory_space<hbm>>
        %dma_start3A_135 = tpu.memref_squeeze %dma_start3A_134 : memref<1x768x512xf32, #tpu.memory_space<hbm>> -> memref<768x512xf32, #tpu.memory_space<hbm>>
        tpu.enqueue_dma source(%dma_start3A_135 : memref<768x512xf32, #tpu.memory_space<hbm>>) target(%dma_start3A_131 : memref<768x512xf32, #tpu.memory_space<vmem>>) target_semaphore(%dma_start3A_127 : memref<!tpu.dma_semaphore, #tpu.memory_space<semaphore_mem>>)
        %dma_start3A_136 = arith.constant 2 : i32
        %dma_start3A_137 = tpu.memref_slice %arg9[%rem3A_15, %dma_start3A_136] : memref<2x4x!tpu.dma_semaphore, #tpu.memory_space<semaphore_mem>> -> memref<1x1x!tpu.dma_semaphore, #tpu.memory_space<semaphore_mem>>
        %dma_start3A_138 = tpu.memref_squeeze %dma_start3A_137 : memref<1x1x!tpu.dma_semaphore, #tpu.memory_space<semaphore_mem>> -> memref<!tpu.dma_semaphore, #tpu.memory_space<semaphore_mem>>
        %dma_start3A_139 = arith.constant 1024 : i32
        %dma_start3A_140 = arith.constant 0 : i32
        %dma_start3A_141 = tpu.memref_slice %arg7[%rem3A_15, %dma_start3A_139, %dma_start3A_140] : memref<2x2048x768xf32, #tpu.memory_space<vmem>> -> memref<1x512x768xf32, #tpu.memory_space<vmem>>
        %dma_start3A_142 = tpu.memref_squeeze %dma_start3A_141 : memref<1x512x768xf32, #tpu.memory_space<vmem>> -> memref<512x768xf32, #tpu.memory_space<vmem>>
        %dma_start3A_143 = arith.constant 1024 : i32
        %dma_start3A_144 = arith.constant 0 : i32
        %dma_start3A_145 = tpu.memref_slice %arg4[%get3A_3, %dma_start3A_143, %dma_start3A_144] : memref<8x2048x768xf32, #tpu.memory_space<hbm>> -> memref<1x512x768xf32, #tpu.memory_space<hbm>>
        %dma_start3A_146 = tpu.memref_squeeze %dma_start3A_145 : memref<1x512x768xf32, #tpu.memory_space<hbm>> -> memref<512x768xf32, #tpu.memory_space<hbm>>
        tpu.enqueue_dma source(%dma_start3A_146 : memref<512x768xf32, #tpu.memory_space<hbm>>) target(%dma_start3A_142 : memref<512x768xf32, #tpu.memory_space<vmem>>) target_semaphore(%dma_start3A_138 : memref<!tpu.dma_semaphore, #tpu.memory_space<semaphore_mem>>)
        %dma_start3A_147 = arith.constant 3 : i32
        %dma_start3A_148 = tpu.memref_slice %arg8[%rem3A_15, %dma_start3A_147] : memref<2x4x!tpu.dma_semaphore, #tpu.memory_space<semaphore_mem>> -> memref<1x1x!tpu.dma_semaphore, #tpu.memory_space<semaphore_mem>>
        %dma_start3A_149 = tpu.memref_squeeze %dma_start3A_148 : memref<1x1x!tpu.dma_semaphore, #tpu.memory_space<semaphore_mem>> -> memref<!tpu.dma_semaphore, #tpu.memory_space<semaphore_mem>>
        %dma_start3A_150 = arith.constant 0 : i32
        %dma_start3A_151 = arith.constant 1536 : i32
        %dma_start3A_152 = tpu.memref_slice %arg6[%rem3A_15, %dma_start3A_150, %dma_start3A_151] : memref<2x768x2048xf32, #tpu.memory_space<vmem>> -> memref<1x768x512xf32, #tpu.memory_space<vmem>>
        %dma_start3A_153 = tpu.memref_squeeze %dma_start3A_152 : memref<1x768x512xf32, #tpu.memory_space<vmem>> -> memref<768x512xf32, #tpu.memory_space<vmem>>
        %dma_start3A_154 = arith.constant 0 : i32
        %dma_start3A_155 = arith.constant 1536 : i32
        %dma_start3A_156 = tpu.memref_slice %arg3[%get3A_3, %dma_start3A_154, %dma_start3A_155] : memref<8x768x2048xf32, #tpu.memory_space<hbm>> -> memref<1x768x512xf32, #tpu.memory_space<hbm>>
        %dma_start3A_157 = tpu.memref_squeeze %dma_start3A_156 : memref<1x768x512xf32, #tpu.memory_space<hbm>> -> memref<768x512xf32, #tpu.memory_space<hbm>>
        tpu.enqueue_dma source(%dma_start3A_157 : memref<768x512xf32, #tpu.memory_space<hbm>>) target(%dma_start3A_153 : memref<768x512xf32, #tpu.memory_space<vmem>>) target_semaphore(%dma_start3A_149 : memref<!tpu.dma_semaphore, #tpu.memory_space<semaphore_mem>>)
        %dma_start3A_158 = arith.constant 3 : i32
        %dma_start3A_159 = tpu.memref_slice %arg9[%rem3A_15, %dma_start3A_158] : memref<2x4x!tpu.dma_semaphore, #tpu.memory_space<semaphore_mem>> -> memref<1x1x!tpu.dma_semaphore, #tpu.memory_space<semaphore_mem>>
        %dma_start3A_160 = tpu.memref_squeeze %dma_start3A_159 : memref<1x1x!tpu.dma_semaphore, #tpu.memory_space<semaphore_mem>> -> memref<!tpu.dma_semaphore, #tpu.memory_space<semaphore_mem>>
        %dma_start3A_161 = arith.constant 1536 : i32
        %dma_start3A_162 = arith.constant 0 : i32
        %dma_start3A_163 = tpu.memref_slice %arg7[%rem3A_15, %dma_start3A_161, %dma_start3A_162] : memref<2x2048x768xf32, #tpu.memory_space<vmem>> -> memref<1x512x768xf32, #tpu.memory_space<vmem>>
        %dma_start3A_164 = tpu.memref_squeeze %dma_start3A_163 : memref<1x512x768xf32, #tpu.memory_space<vmem>> -> memref<512x768xf32, #tpu.memory_space<vmem>>
        %dma_start3A_165 = arith.constant 1536 : i32
        %dma_start3A_166 = arith.constant 0 : i32
        %dma_start3A_167 = tpu.memref_slice %arg4[%get3A_3, %dma_start3A_165, %dma_start3A_166] : memref<8x2048x768xf32, #tpu.memory_space<hbm>> -> memref<1x512x768xf32, #tpu.memory_space<hbm>>
        %dma_start3A_168 = tpu.memref_squeeze %dma_start3A_167 : memref<1x512x768xf32, #tpu.memory_space<hbm>> -> memref<512x768xf32, #tpu.memory_space<hbm>>
        tpu.enqueue_dma source(%dma_start3A_168 : memref<512x768xf32, #tpu.memory_space<hbm>>) target(%dma_start3A_164 : memref<512x768xf32, #tpu.memory_space<vmem>>) target_semaphore(%dma_start3A_160 : memref<!tpu.dma_semaphore, #tpu.memory_space<semaphore_mem>>)
      } else {
      }
      %sub3A_21 = arith.constant 3 : i32
      %sub3A_22 = arith.subi %get3A_10, %sub3A_21 : i32
      %max3A = arith.maxsi %sub3A_22, %get3A_6 : i32
      %eq3A_23 = arith.cmpi eq, %arg0, %max3A : i32
      %lt3A_24 = arith.cmpi slt, %get3A_10, %get3A_0 : i32
      %and3A = arith.andi %eq3A_23, %lt3A_24 : i1
      %convert_element_type3A_25 = arith.extui %and3A : i1 to i32
      %cond3A_26 = arith.constant 0 : i32
      %cond3A_27 = arith.cmpi ne, %convert_element_type3A_25, %cond3A_26 : i32
      scf.if %cond3A_27 {
        %min3A = arith.constant 23 : i32
        %min3A_82 = arith.minsi %get3A_10, %min3A : i32
        %get3A_83 = arith.index_cast %min3A_82 : i32 to index
        %get3A_84 = memref.load %arg1[%get3A_83] : memref<128xi32, #tpu.memory_space<smem>>
        %dma_start3A = arith.constant 0 : i32
        %dma_start3A_85 = tpu.memref_slice %arg8[%sub3A_16, %dma_start3A] : memref<2x4x!tpu.dma_semaphore, #tpu.memory_space<semaphore_mem>> -> memref<1x1x!tpu.dma_semaphore, #tpu.memory_space<semaphore_mem>>
        %dma_start3A_86 = tpu.memref_squeeze %dma_start3A_85 : memref<1x1x!tpu.dma_semaphore, #tpu.memory_space<semaphore_mem>> -> memref<!tpu.dma_semaphore, #tpu.memory_space<semaphore_mem>>
        %dma_start3A_87 = arith.constant 0 : i32
        %dma_start3A_88 = arith.constant 0 : i32
        %dma_start3A_89 = tpu.memref_slice %arg6[%sub3A_16, %dma_start3A_87, %dma_start3A_88] : memref<2x768x2048xf32, #tpu.memory_space<vmem>> -> memref<1x768x512xf32, #tpu.memory_space<vmem>>
        %dma_start3A_90 = tpu.memref_squeeze %dma_start3A_89 : memref<1x768x512xf32, #tpu.memory_space<vmem>> -> memref<768x512xf32, #tpu.memory_space<vmem>>
        %dma_start3A_91 = arith.constant 0 : i32
        %dma_start3A_92 = arith.constant 0 : i32
        %dma_start3A_93 = tpu.memref_slice %arg3[%get3A_84, %dma_start3A_91, %dma_start3A_92] : memref<8x768x2048xf32, #tpu.memory_space<hbm>> -> memref<1x768x512xf32, #tpu.memory_space<hbm>>
        %dma_start3A_94 = tpu.memref_squeeze %dma_start3A_93 : memref<1x768x512xf32, #tpu.memory_space<hbm>> -> memref<768x512xf32, #tpu.memory_space<hbm>>
        tpu.enqueue_dma source(%dma_start3A_94 : memref<768x512xf32, #tpu.memory_space<hbm>>) target(%dma_start3A_90 : memref<768x512xf32, #tpu.memory_space<vmem>>) target_semaphore(%dma_start3A_86 : memref<!tpu.dma_semaphore, #tpu.memory_space<semaphore_mem>>)
        %dma_start3A_95 = arith.constant 0 : i32
        %dma_start3A_96 = tpu.memref_slice %arg9[%sub3A_16, %dma_start3A_95] : memref<2x4x!tpu.dma_semaphore, #tpu.memory_space<semaphore_mem>> -> memref<1x1x!tpu.dma_semaphore, #tpu.memory_space<semaphore_mem>>
        %dma_start3A_97 = tpu.memref_squeeze %dma_start3A_96 : memref<1x1x!tpu.dma_semaphore, #tpu.memory_space<semaphore_mem>> -> memref<!tpu.dma_semaphore, #tpu.memory_space<semaphore_mem>>
        %dma_start3A_98 = arith.constant 0 : i32
        %dma_start3A_99 = arith.constant 0 : i32
        %dma_start3A_100 = tpu.memref_slice %arg7[%sub3A_16, %dma_start3A_98, %dma_start3A_99] : memref<2x2048x768xf32, #tpu.memory_space<vmem>> -> memref<1x512x768xf32, #tpu.memory_space<vmem>>
        %dma_start3A_101 = tpu.memref_squeeze %dma_start3A_100 : memref<1x512x768xf32, #tpu.memory_space<vmem>> -> memref<512x768xf32, #tpu.memory_space<vmem>>
        %dma_start3A_102 = arith.constant 0 : i32
        %dma_start3A_103 = arith.constant 0 : i32
        %dma_start3A_104 = tpu.memref_slice %arg4[%get3A_84, %dma_start3A_102, %dma_start3A_103] : memref<8x2048x768xf32, #tpu.memory_space<hbm>> -> memref<1x512x768xf32, #tpu.memory_space<hbm>>
        %dma_start3A_105 = tpu.memref_squeeze %dma_start3A_104 : memref<1x512x768xf32, #tpu.memory_space<hbm>> -> memref<512x768xf32, #tpu.memory_space<hbm>>
        tpu.enqueue_dma source(%dma_start3A_105 : memref<512x768xf32, #tpu.memory_space<hbm>>) target(%dma_start3A_101 : memref<512x768xf32, #tpu.memory_space<vmem>>) target_semaphore(%dma_start3A_97 : memref<!tpu.dma_semaphore, #tpu.memory_space<semaphore_mem>>)
        %dma_start3A_106 = arith.constant 1 : i32
        %dma_start3A_107 = tpu.memref_slice %arg8[%sub3A_16, %dma_start3A_106] : memref<2x4x!tpu.dma_semaphore, #tpu.memory_space<semaphore_mem>> -> memref<1x1x!tpu.dma_semaphore, #tpu.memory_space<semaphore_mem>>
        %dma_start3A_108 = tpu.memref_squeeze %dma_start3A_107 : memref<1x1x!tpu.dma_semaphore, #tpu.memory_space<semaphore_mem>> -> memref<!tpu.dma_semaphore, #tpu.memory_space<semaphore_mem>>
        %dma_start3A_109 = arith.constant 0 : i32
        %dma_start3A_110 = arith.constant 512 : i32
        %dma_start3A_111 = tpu.memref_slice %arg6[%sub3A_16, %dma_start3A_109, %dma_start3A_110] : memref<2x768x2048xf32, #tpu.memory_space<vmem>> -> memref<1x768x512xf32, #tpu.memory_space<vmem>>
        %dma_start3A_112 = tpu.memref_squeeze %dma_start3A_111 : memref<1x768x512xf32, #tpu.memory_space<vmem>> -> memref<768x512xf32, #tpu.memory_space<vmem>>
        %dma_start3A_113 = arith.constant 0 : i32
        %dma_start3A_114 = arith.constant 512 : i32
        %dma_start3A_115 = tpu.memref_slice %arg3[%get3A_84, %dma_start3A_113, %dma_start3A_114] : memref<8x768x2048xf32, #tpu.memory_space<hbm>> -> memref<1x768x512xf32, #tpu.memory_space<hbm>>
        %dma_start3A_116 = tpu.memref_squeeze %dma_start3A_115 : memref<1x768x512xf32, #tpu.memory_space<hbm>> -> memref<768x512xf32, #tpu.memory_space<hbm>>
        tpu.enqueue_dma source(%dma_start3A_116 : memref<768x512xf32, #tpu.memory_space<hbm>>) target(%dma_start3A_112 : memref<768x512xf32, #tpu.memory_space<vmem>>) target_semaphore(%dma_start3A_108 : memref<!tpu.dma_semaphore, #tpu.memory_space<semaphore_mem>>)
        %dma_start3A_117 = arith.constant 1 : i32
        %dma_start3A_118 = tpu.memref_slice %arg9[%sub3A_16, %dma_start3A_117] : memref<2x4x!tpu.dma_semaphore, #tpu.memory_space<semaphore_mem>> -> memref<1x1x!tpu.dma_semaphore, #tpu.memory_space<semaphore_mem>>
        %dma_start3A_119 = tpu.memref_squeeze %dma_start3A_118 : memref<1x1x!tpu.dma_semaphore, #tpu.memory_space<semaphore_mem>> -> memref<!tpu.dma_semaphore, #tpu.memory_space<semaphore_mem>>
        %dma_start3A_120 = arith.constant 512 : i32
        %dma_start3A_121 = arith.constant 0 : i32
        %dma_start3A_122 = tpu.memref_slice %arg7[%sub3A_16, %dma_start3A_120, %dma_start3A_121] : memref<2x2048x768xf32, #tpu.memory_space<vmem>> -> memref<1x512x768xf32, #tpu.memory_space<vmem>>
        %dma_start3A_123 = tpu.memref_squeeze %dma_start3A_122 : memref<1x512x768xf32, #tpu.memory_space<vmem>> -> memref<512x768xf32, #tpu.memory_space<vmem>>
        %dma_start3A_124 = arith.constant 512 : i32
        %dma_start3A_125 = arith.constant 0 : i32
        %dma_start3A_126 = tpu.memref_slice %arg4[%get3A_84, %dma_start3A_124, %dma_start3A_125] : memref<8x2048x768xf32, #tpu.memory_space<hbm>> -> memref<1x512x768xf32, #tpu.memory_space<hbm>>
        %dma_start3A_127 = tpu.memref_squeeze %dma_start3A_126 : memref<1x512x768xf32, #tpu.memory_space<hbm>> -> memref<512x768xf32, #tpu.memory_space<hbm>>
        tpu.enqueue_dma source(%dma_start3A_127 : memref<512x768xf32, #tpu.memory_space<hbm>>) target(%dma_start3A_123 : memref<512x768xf32, #tpu.memory_space<vmem>>) target_semaphore(%dma_start3A_119 : memref<!tpu.dma_semaphore, #tpu.memory_space<semaphore_mem>>)
        %dma_start3A_128 = arith.constant 2 : i32
        %dma_start3A_129 = tpu.memref_slice %arg8[%sub3A_16, %dma_start3A_128] : memref<2x4x!tpu.dma_semaphore, #tpu.memory_space<semaphore_mem>> -> memref<1x1x!tpu.dma_semaphore, #tpu.memory_space<semaphore_mem>>
        %dma_start3A_130 = tpu.memref_squeeze %dma_start3A_129 : memref<1x1x!tpu.dma_semaphore, #tpu.memory_space<semaphore_mem>> -> memref<!tpu.dma_semaphore, #tpu.memory_space<semaphore_mem>>
        %dma_start3A_131 = arith.constant 0 : i32
        %dma_start3A_132 = arith.constant 1024 : i32
        %dma_start3A_133 = tpu.memref_slice %arg6[%sub3A_16, %dma_start3A_131, %dma_start3A_132] : memref<2x768x2048xf32, #tpu.memory_space<vmem>> -> memref<1x768x512xf32, #tpu.memory_space<vmem>>
        %dma_start3A_134 = tpu.memref_squeeze %dma_start3A_133 : memref<1x768x512xf32, #tpu.memory_space<vmem>> -> memref<768x512xf32, #tpu.memory_space<vmem>>
        %dma_start3A_135 = arith.constant 0 : i32
        %dma_start3A_136 = arith.constant 1024 : i32
        %dma_start3A_137 = tpu.memref_slice %arg3[%get3A_84, %dma_start3A_135, %dma_start3A_136] : memref<8x768x2048xf32, #tpu.memory_space<hbm>> -> memref<1x768x512xf32, #tpu.memory_space<hbm>>
        %dma_start3A_138 = tpu.memref_squeeze %dma_start3A_137 : memref<1x768x512xf32, #tpu.memory_space<hbm>> -> memref<768x512xf32, #tpu.memory_space<hbm>>
        tpu.enqueue_dma source(%dma_start3A_138 : memref<768x512xf32, #tpu.memory_space<hbm>>) target(%dma_start3A_134 : memref<768x512xf32, #tpu.memory_space<vmem>>) target_semaphore(%dma_start3A_130 : memref<!tpu.dma_semaphore, #tpu.memory_space<semaphore_mem>>)
        %dma_start3A_139 = arith.constant 2 : i32
        %dma_start3A_140 = tpu.memref_slice %arg9[%sub3A_16, %dma_start3A_139] : memref<2x4x!tpu.dma_semaphore, #tpu.memory_space<semaphore_mem>> -> memref<1x1x!tpu.dma_semaphore, #tpu.memory_space<semaphore_mem>>
        %dma_start3A_141 = tpu.memref_squeeze %dma_start3A_140 : memref<1x1x!tpu.dma_semaphore, #tpu.memory_space<semaphore_mem>> -> memref<!tpu.dma_semaphore, #tpu.memory_space<semaphore_mem>>
        %dma_start3A_142 = arith.constant 1024 : i32
        %dma_start3A_143 = arith.constant 0 : i32
        %dma_start3A_144 = tpu.memref_slice %arg7[%sub3A_16, %dma_start3A_142, %dma_start3A_143] : memref<2x2048x768xf32, #tpu.memory_space<vmem>> -> memref<1x512x768xf32, #tpu.memory_space<vmem>>
        %dma_start3A_145 = tpu.memref_squeeze %dma_start3A_144 : memref<1x512x768xf32, #tpu.memory_space<vmem>> -> memref<512x768xf32, #tpu.memory_space<vmem>>
        %dma_start3A_146 = arith.constant 1024 : i32
        %dma_start3A_147 = arith.constant 0 : i32
        %dma_start3A_148 = tpu.memref_slice %arg4[%get3A_84, %dma_start3A_146, %dma_start3A_147] : memref<8x2048x768xf32, #tpu.memory_space<hbm>> -> memref<1x512x768xf32, #tpu.memory_space<hbm>>
        %dma_start3A_149 = tpu.memref_squeeze %dma_start3A_148 : memref<1x512x768xf32, #tpu.memory_space<hbm>> -> memref<512x768xf32, #tpu.memory_space<hbm>>
        tpu.enqueue_dma source(%dma_start3A_149 : memref<512x768xf32, #tpu.memory_space<hbm>>) target(%dma_start3A_145 : memref<512x768xf32, #tpu.memory_space<vmem>>) target_semaphore(%dma_start3A_141 : memref<!tpu.dma_semaphore, #tpu.memory_space<semaphore_mem>>)
        %dma_start3A_150 = arith.constant 3 : i32
        %dma_start3A_151 = tpu.memref_slice %arg8[%sub3A_16, %dma_start3A_150] : memref<2x4x!tpu.dma_semaphore, #tpu.memory_space<semaphore_mem>> -> memref<1x1x!tpu.dma_semaphore, #tpu.memory_space<semaphore_mem>>
        %dma_start3A_152 = tpu.memref_squeeze %dma_start3A_151 : memref<1x1x!tpu.dma_semaphore, #tpu.memory_space<semaphore_mem>> -> memref<!tpu.dma_semaphore, #tpu.memory_space<semaphore_mem>>
        %dma_start3A_153 = arith.constant 0 : i32
        %dma_start3A_154 = arith.constant 1536 : i32
        %dma_start3A_155 = tpu.memref_slice %arg6[%sub3A_16, %dma_start3A_153, %dma_start3A_154] : memref<2x768x2048xf32, #tpu.memory_space<vmem>> -> memref<1x768x512xf32, #tpu.memory_space<vmem>>
        %dma_start3A_156 = tpu.memref_squeeze %dma_start3A_155 : memref<1x768x512xf32, #tpu.memory_space<vmem>> -> memref<768x512xf32, #tpu.memory_space<vmem>>
        %dma_start3A_157 = arith.constant 0 : i32
        %dma_start3A_158 = arith.constant 1536 : i32
        %dma_start3A_159 = tpu.memref_slice %arg3[%get3A_84, %dma_start3A_157, %dma_start3A_158] : memref<8x768x2048xf32, #tpu.memory_space<hbm>> -> memref<1x768x512xf32, #tpu.memory_space<hbm>>
        %dma_start3A_160 = tpu.memref_squeeze %dma_start3A_159 : memref<1x768x512xf32, #tpu.memory_space<hbm>> -> memref<768x512xf32, #tpu.memory_space<hbm>>
        tpu.enqueue_dma source(%dma_start3A_160 : memref<768x512xf32, #tpu.memory_space<hbm>>) target(%dma_start3A_156 : memref<768x512xf32, #tpu.memory_space<vmem>>) target_semaphore(%dma_start3A_152 : memref<!tpu.dma_semaphore, #tpu.memory_space<semaphore_mem>>)
        %dma_start3A_161 = arith.constant 3 : i32
        %dma_start3A_162 = tpu.memref_slice %arg9[%sub3A_16, %dma_start3A_161] : memref<2x4x!tpu.dma_semaphore, #tpu.memory_space<semaphore_mem>> -> memref<1x1x!tpu.dma_semaphore, #tpu.memory_space<semaphore_mem>>
        %dma_start3A_163 = tpu.memref_squeeze %dma_start3A_162 : memref<1x1x!tpu.dma_semaphore, #tpu.memory_space<semaphore_mem>> -> memref<!tpu.dma_semaphore, #tpu.memory_space<semaphore_mem>>
        %dma_start3A_164 = arith.constant 1536 : i32
        %dma_start3A_165 = arith.constant 0 : i32
        %dma_start3A_166 = tpu.memref_slice %arg7[%sub3A_16, %dma_start3A_164, %dma_start3A_165] : memref<2x2048x768xf32, #tpu.memory_space<vmem>> -> memref<1x512x768xf32, #tpu.memory_space<vmem>>
        %dma_start3A_167 = tpu.memref_squeeze %dma_start3A_166 : memref<1x512x768xf32, #tpu.memory_space<vmem>> -> memref<512x768xf32, #tpu.memory_space<vmem>>
        %dma_start3A_168 = arith.constant 1536 : i32
        %dma_start3A_169 = arith.constant 0 : i32
        %dma_start3A_170 = tpu.memref_slice %arg4[%get3A_84, %dma_start3A_168, %dma_start3A_169] : memref<8x2048x768xf32, #tpu.memory_space<hbm>> -> memref<1x512x768xf32, #tpu.memory_space<hbm>>
        %dma_start3A_171 = tpu.memref_squeeze %dma_start3A_170 : memref<1x512x768xf32, #tpu.memory_space<hbm>> -> memref<512x768xf32, #tpu.memory_space<hbm>>
        tpu.enqueue_dma source(%dma_start3A_171 : memref<512x768xf32, #tpu.memory_space<hbm>>) target(%dma_start3A_167 : memref<512x768xf32, #tpu.memory_space<vmem>>) target_semaphore(%dma_start3A_163 : memref<!tpu.dma_semaphore, #tpu.memory_space<semaphore_mem>>)
      } else {
      }
      %eq3A_28 = arith.cmpi eq, %arg0, %get3A_6 : i32
      %convert_element_type3A_29 = arith.extui %eq3A_28 : i1 to i32
      %cond3A_30 = arith.constant 0 : i32
      %cond3A_31 = arith.cmpi ne, %convert_element_type3A_29, %cond3A_30 : i32
      scf.if %cond3A_31 {
        %dma_wait3A = arith.constant 0 : i32
        %dma_wait3A_82 = tpu.memref_slice %arg8[%rem3A_15, %dma_wait3A] : memref<2x4x!tpu.dma_semaphore, #tpu.memory_space<semaphore_mem>> -> memref<1x1x!tpu.dma_semaphore, #tpu.memory_space<semaphore_mem>>
        %dma_wait3A_83 = tpu.memref_squeeze %dma_wait3A_82 : memref<1x1x!tpu.dma_semaphore, #tpu.memory_space<semaphore_mem>> -> memref<!tpu.dma_semaphore, #tpu.memory_space<semaphore_mem>>
        %dma_wait3A_84 = arith.constant 0 : i32
        %dma_wait3A_85 = arith.constant 0 : i32
        %dma_wait3A_86 = tpu.memref_slice %arg6[%rem3A_15, %dma_wait3A_84, %dma_wait3A_85] : memref<2x768x2048xf32, #tpu.memory_space<vmem>> -> memref<1x768x512xf32, #tpu.memory_space<vmem>>
        %dma_wait3A_87 = tpu.memref_squeeze %dma_wait3A_86 : memref<1x768x512xf32, #tpu.memory_space<vmem>> -> memref<768x512xf32, #tpu.memory_space<vmem>>
        %dma_wait3A_88 = arith.constant 0 : i32
        %dma_wait3A_89 = arith.constant 0 : i32
        %dma_wait3A_90 = tpu.memref_slice %arg3[%get3A_3, %dma_wait3A_88, %dma_wait3A_89] : memref<8x768x2048xf32, #tpu.memory_space<hbm>> -> memref<1x768x512xf32, #tpu.memory_space<hbm>>
        %dma_wait3A_91 = tpu.memref_squeeze %dma_wait3A_90 : memref<1x768x512xf32, #tpu.memory_space<hbm>> -> memref<768x512xf32, #tpu.memory_space<hbm>>
        tpu.wait_dma2 semaphore(%dma_wait3A_83 : memref<!tpu.dma_semaphore, #tpu.memory_space<semaphore_mem>>) src(%dma_wait3A_91 : memref<768x512xf32, #tpu.memory_space<hbm>>) dst(%dma_wait3A_87 : memref<768x512xf32, #tpu.memory_space<vmem>>)
        %dma_wait3A_92 = arith.constant 0 : i32
        %dma_wait3A_93 = tpu.memref_slice %arg9[%rem3A_15, %dma_wait3A_92] : memref<2x4x!tpu.dma_semaphore, #tpu.memory_space<semaphore_mem>> -> memref<1x1x!tpu.dma_semaphore, #tpu.memory_space<semaphore_mem>>
        %dma_wait3A_94 = tpu.memref_squeeze %dma_wait3A_93 : memref<1x1x!tpu.dma_semaphore, #tpu.memory_space<semaphore_mem>> -> memref<!tpu.dma_semaphore, #tpu.memory_space<semaphore_mem>>
        %dma_wait3A_95 = arith.constant 0 : i32
        %dma_wait3A_96 = arith.constant 0 : i32
        %dma_wait3A_97 = tpu.memref_slice %arg7[%rem3A_15, %dma_wait3A_95, %dma_wait3A_96] : memref<2x2048x768xf32, #tpu.memory_space<vmem>> -> memref<1x512x768xf32, #tpu.memory_space<vmem>>
        %dma_wait3A_98 = tpu.memref_squeeze %dma_wait3A_97 : memref<1x512x768xf32, #tpu.memory_space<vmem>> -> memref<512x768xf32, #tpu.memory_space<vmem>>
        %dma_wait3A_99 = arith.constant 0 : i32
        %dma_wait3A_100 = arith.constant 0 : i32
        %dma_wait3A_101 = tpu.memref_slice %arg4[%get3A_3, %dma_wait3A_99, %dma_wait3A_100] : memref<8x2048x768xf32, #tpu.memory_space<hbm>> -> memref<1x512x768xf32, #tpu.memory_space<hbm>>
        %dma_wait3A_102 = tpu.memref_squeeze %dma_wait3A_101 : memref<1x512x768xf32, #tpu.memory_space<hbm>> -> memref<512x768xf32, #tpu.memory_space<hbm>>
        tpu.wait_dma2 semaphore(%dma_wait3A_94 : memref<!tpu.dma_semaphore, #tpu.memory_space<semaphore_mem>>) src(%dma_wait3A_102 : memref<512x768xf32, #tpu.memory_space<hbm>>) dst(%dma_wait3A_98 : memref<512x768xf32, #tpu.memory_space<vmem>>)
        %dma_wait3A_103 = arith.constant 1 : i32
        %dma_wait3A_104 = tpu.memref_slice %arg8[%rem3A_15, %dma_wait3A_103] : memref<2x4x!tpu.dma_semaphore, #tpu.memory_space<semaphore_mem>> -> memref<1x1x!tpu.dma_semaphore, #tpu.memory_space<semaphore_mem>>
        %dma_wait3A_105 = tpu.memref_squeeze %dma_wait3A_104 : memref<1x1x!tpu.dma_semaphore, #tpu.memory_space<semaphore_mem>> -> memref<!tpu.dma_semaphore, #tpu.memory_space<semaphore_mem>>
        %dma_wait3A_106 = arith.constant 0 : i32
        %dma_wait3A_107 = arith.constant 512 : i32
        %dma_wait3A_108 = tpu.memref_slice %arg6[%rem3A_15, %dma_wait3A_106, %dma_wait3A_107] : memref<2x768x2048xf32, #tpu.memory_space<vmem>> -> memref<1x768x512xf32, #tpu.memory_space<vmem>>
        %dma_wait3A_109 = tpu.memref_squeeze %dma_wait3A_108 : memref<1x768x512xf32, #tpu.memory_space<vmem>> -> memref<768x512xf32, #tpu.memory_space<vmem>>
        %dma_wait3A_110 = arith.constant 0 : i32
        %dma_wait3A_111 = arith.constant 512 : i32
        %dma_wait3A_112 = tpu.memref_slice %arg3[%get3A_3, %dma_wait3A_110, %dma_wait3A_111] : memref<8x768x2048xf32, #tpu.memory_space<hbm>> -> memref<1x768x512xf32, #tpu.memory_space<hbm>>
        %dma_wait3A_113 = tpu.memref_squeeze %dma_wait3A_112 : memref<1x768x512xf32, #tpu.memory_space<hbm>> -> memref<768x512xf32, #tpu.memory_space<hbm>>
        tpu.wait_dma2 semaphore(%dma_wait3A_105 : memref<!tpu.dma_semaphore, #tpu.memory_space<semaphore_mem>>) src(%dma_wait3A_113 : memref<768x512xf32, #tpu.memory_space<hbm>>) dst(%dma_wait3A_109 : memref<768x512xf32, #tpu.memory_space<vmem>>)
        %dma_wait3A_114 = arith.constant 1 : i32
        %dma_wait3A_115 = tpu.memref_slice %arg9[%rem3A_15, %dma_wait3A_114] : memref<2x4x!tpu.dma_semaphore, #tpu.memory_space<semaphore_mem>> -> memref<1x1x!tpu.dma_semaphore, #tpu.memory_space<semaphore_mem>>
        %dma_wait3A_116 = tpu.memref_squeeze %dma_wait3A_115 : memref<1x1x!tpu.dma_semaphore, #tpu.memory_space<semaphore_mem>> -> memref<!tpu.dma_semaphore, #tpu.memory_space<semaphore_mem>>
        %dma_wait3A_117 = arith.constant 512 : i32
        %dma_wait3A_118 = arith.constant 0 : i32
        %dma_wait3A_119 = tpu.memref_slice %arg7[%rem3A_15, %dma_wait3A_117, %dma_wait3A_118] : memref<2x2048x768xf32, #tpu.memory_space<vmem>> -> memref<1x512x768xf32, #tpu.memory_space<vmem>>
        %dma_wait3A_120 = tpu.memref_squeeze %dma_wait3A_119 : memref<1x512x768xf32, #tpu.memory_space<vmem>> -> memref<512x768xf32, #tpu.memory_space<vmem>>
        %dma_wait3A_121 = arith.constant 512 : i32
        %dma_wait3A_122 = arith.constant 0 : i32
        %dma_wait3A_123 = tpu.memref_slice %arg4[%get3A_3, %dma_wait3A_121, %dma_wait3A_122] : memref<8x2048x768xf32, #tpu.memory_space<hbm>> -> memref<1x512x768xf32, #tpu.memory_space<hbm>>
        %dma_wait3A_124 = tpu.memref_squeeze %dma_wait3A_123 : memref<1x512x768xf32, #tpu.memory_space<hbm>> -> memref<512x768xf32, #tpu.memory_space<hbm>>
        tpu.wait_dma2 semaphore(%dma_wait3A_116 : memref<!tpu.dma_semaphore, #tpu.memory_space<semaphore_mem>>) src(%dma_wait3A_124 : memref<512x768xf32, #tpu.memory_space<hbm>>) dst(%dma_wait3A_120 : memref<512x768xf32, #tpu.memory_space<vmem>>)
        %dma_wait3A_125 = arith.constant 2 : i32
        %dma_wait3A_126 = tpu.memref_slice %arg8[%rem3A_15, %dma_wait3A_125] : memref<2x4x!tpu.dma_semaphore, #tpu.memory_space<semaphore_mem>> -> memref<1x1x!tpu.dma_semaphore, #tpu.memory_space<semaphore_mem>>
        %dma_wait3A_127 = tpu.memref_squeeze %dma_wait3A_126 : memref<1x1x!tpu.dma_semaphore, #tpu.memory_space<semaphore_mem>> -> memref<!tpu.dma_semaphore, #tpu.memory_space<semaphore_mem>>
        %dma_wait3A_128 = arith.constant 0 : i32
        %dma_wait3A_129 = arith.constant 1024 : i32
        %dma_wait3A_130 = tpu.memref_slice %arg6[%rem3A_15, %dma_wait3A_128, %dma_wait3A_129] : memref<2x768x2048xf32, #tpu.memory_space<vmem>> -> memref<1x768x512xf32, #tpu.memory_space<vmem>>
        %dma_wait3A_131 = tpu.memref_squeeze %dma_wait3A_130 : memref<1x768x512xf32, #tpu.memory_space<vmem>> -> memref<768x512xf32, #tpu.memory_space<vmem>>
        %dma_wait3A_132 = arith.constant 0 : i32
        %dma_wait3A_133 = arith.constant 1024 : i32
        %dma_wait3A_134 = tpu.memref_slice %arg3[%get3A_3, %dma_wait3A_132, %dma_wait3A_133] : memref<8x768x2048xf32, #tpu.memory_space<hbm>> -> memref<1x768x512xf32, #tpu.memory_space<hbm>>
        %dma_wait3A_135 = tpu.memref_squeeze %dma_wait3A_134 : memref<1x768x512xf32, #tpu.memory_space<hbm>> -> memref<768x512xf32, #tpu.memory_space<hbm>>
        tpu.wait_dma2 semaphore(%dma_wait3A_127 : memref<!tpu.dma_semaphore, #tpu.memory_space<semaphore_mem>>) src(%dma_wait3A_135 : memref<768x512xf32, #tpu.memory_space<hbm>>) dst(%dma_wait3A_131 : memref<768x512xf32, #tpu.memory_space<vmem>>)
        %dma_wait3A_136 = arith.constant 2 : i32
        %dma_wait3A_137 = tpu.memref_slice %arg9[%rem3A_15, %dma_wait3A_136] : memref<2x4x!tpu.dma_semaphore, #tpu.memory_space<semaphore_mem>> -> memref<1x1x!tpu.dma_semaphore, #tpu.memory_space<semaphore_mem>>
        %dma_wait3A_138 = tpu.memref_squeeze %dma_wait3A_137 : memref<1x1x!tpu.dma_semaphore, #tpu.memory_space<semaphore_mem>> -> memref<!tpu.dma_semaphore, #tpu.memory_space<semaphore_mem>>
        %dma_wait3A_139 = arith.constant 1024 : i32
        %dma_wait3A_140 = arith.constant 0 : i32
        %dma_wait3A_141 = tpu.memref_slice %arg7[%rem3A_15, %dma_wait3A_139, %dma_wait3A_140] : memref<2x2048x768xf32, #tpu.memory_space<vmem>> -> memref<1x512x768xf32, #tpu.memory_space<vmem>>
        %dma_wait3A_142 = tpu.memref_squeeze %dma_wait3A_141 : memref<1x512x768xf32, #tpu.memory_space<vmem>> -> memref<512x768xf32, #tpu.memory_space<vmem>>
        %dma_wait3A_143 = arith.constant 1024 : i32
        %dma_wait3A_144 = arith.constant 0 : i32
        %dma_wait3A_145 = tpu.memref_slice %arg4[%get3A_3, %dma_wait3A_143, %dma_wait3A_144] : memref<8x2048x768xf32, #tpu.memory_space<hbm>> -> memref<1x512x768xf32, #tpu.memory_space<hbm>>
        %dma_wait3A_146 = tpu.memref_squeeze %dma_wait3A_145 : memref<1x512x768xf32, #tpu.memory_space<hbm>> -> memref<512x768xf32, #tpu.memory_space<hbm>>
        tpu.wait_dma2 semaphore(%dma_wait3A_138 : memref<!tpu.dma_semaphore, #tpu.memory_space<semaphore_mem>>) src(%dma_wait3A_146 : memref<512x768xf32, #tpu.memory_space<hbm>>) dst(%dma_wait3A_142 : memref<512x768xf32, #tpu.memory_space<vmem>>)
        %dma_wait3A_147 = arith.constant 3 : i32
        %dma_wait3A_148 = tpu.memref_slice %arg8[%rem3A_15, %dma_wait3A_147] : memref<2x4x!tpu.dma_semaphore, #tpu.memory_space<semaphore_mem>> -> memref<1x1x!tpu.dma_semaphore, #tpu.memory_space<semaphore_mem>>
        %dma_wait3A_149 = tpu.memref_squeeze %dma_wait3A_148 : memref<1x1x!tpu.dma_semaphore, #tpu.memory_space<semaphore_mem>> -> memref<!tpu.dma_semaphore, #tpu.memory_space<semaphore_mem>>
        %dma_wait3A_150 = arith.constant 0 : i32
        %dma_wait3A_151 = arith.constant 1536 : i32
        %dma_wait3A_152 = tpu.memref_slice %arg6[%rem3A_15, %dma_wait3A_150, %dma_wait3A_151] : memref<2x768x2048xf32, #tpu.memory_space<vmem>> -> memref<1x768x512xf32, #tpu.memory_space<vmem>>
        %dma_wait3A_153 = tpu.memref_squeeze %dma_wait3A_152 : memref<1x768x512xf32, #tpu.memory_space<vmem>> -> memref<768x512xf32, #tpu.memory_space<vmem>>
        %dma_wait3A_154 = arith.constant 0 : i32
        %dma_wait3A_155 = arith.constant 1536 : i32
        %dma_wait3A_156 = tpu.memref_slice %arg3[%get3A_3, %dma_wait3A_154, %dma_wait3A_155] : memref<8x768x2048xf32, #tpu.memory_space<hbm>> -> memref<1x768x512xf32, #tpu.memory_space<hbm>>
        %dma_wait3A_157 = tpu.memref_squeeze %dma_wait3A_156 : memref<1x768x512xf32, #tpu.memory_space<hbm>> -> memref<768x512xf32, #tpu.memory_space<hbm>>
        tpu.wait_dma2 semaphore(%dma_wait3A_149 : memref<!tpu.dma_semaphore, #tpu.memory_space<semaphore_mem>>) src(%dma_wait3A_157 : memref<768x512xf32, #tpu.memory_space<hbm>>) dst(%dma_wait3A_153 : memref<768x512xf32, #tpu.memory_space<vmem>>)
        %dma_wait3A_158 = arith.constant 3 : i32
        %dma_wait3A_159 = tpu.memref_slice %arg9[%rem3A_15, %dma_wait3A_158] : memref<2x4x!tpu.dma_semaphore, #tpu.memory_space<semaphore_mem>> -> memref<1x1x!tpu.dma_semaphore, #tpu.memory_space<semaphore_mem>>
        %dma_wait3A_160 = tpu.memref_squeeze %dma_wait3A_159 : memref<1x1x!tpu.dma_semaphore, #tpu.memory_space<semaphore_mem>> -> memref<!tpu.dma_semaphore, #tpu.memory_space<semaphore_mem>>
        %dma_wait3A_161 = arith.constant 1536 : i32
        %dma_wait3A_162 = arith.constant 0 : i32
        %dma_wait3A_163 = tpu.memref_slice %arg7[%rem3A_15, %dma_wait3A_161, %dma_wait3A_162] : memref<2x2048x768xf32, #tpu.memory_space<vmem>> -> memref<1x512x768xf32, #tpu.memory_space<vmem>>
        %dma_wait3A_164 = tpu.memref_squeeze %dma_wait3A_163 : memref<1x512x768xf32, #tpu.memory_space<vmem>> -> memref<512x768xf32, #tpu.memory_space<vmem>>
        %dma_wait3A_165 = arith.constant 1536 : i32
        %dma_wait3A_166 = arith.constant 0 : i32
        %dma_wait3A_167 = tpu.memref_slice %arg4[%get3A_3, %dma_wait3A_165, %dma_wait3A_166] : memref<8x2048x768xf32, #tpu.memory_space<hbm>> -> memref<1x512x768xf32, #tpu.memory_space<hbm>>
        %dma_wait3A_168 = tpu.memref_squeeze %dma_wait3A_167 : memref<1x512x768xf32, #tpu.memory_space<hbm>> -> memref<512x768xf32, #tpu.memory_space<hbm>>
        tpu.wait_dma2 semaphore(%dma_wait3A_160 : memref<!tpu.dma_semaphore, #tpu.memory_space<semaphore_mem>>) src(%dma_wait3A_168 : memref<512x768xf32, #tpu.memory_space<hbm>>) dst(%dma_wait3A_164 : memref<512x768xf32, #tpu.memory_space<vmem>>)
      } else {
      }
      %get3A_32 = arith.constant 0 : index
      %get3A_33 = arith.constant 0 : index
      %get3A_34 = vector.load %arg2[%get3A_32, %get3A_33] : memref<256x384xi32, #tpu.memory_space<vmem>>, vector<256x384xi32>
      %shift_left3A = arith.constant 16 : i32
      %shift_left3A_35 = vector.broadcast %shift_left3A : i32 to vector<256x384xi32>
      %shift_left3A_36 = arith.shli %get3A_34, %shift_left3A_35 : vector<256x384xi32>
      %bitcast_convert_type3A = tpu.bitcast %shift_left3A_36 : vector<256x384xi32> -> vector<256x384xf32>
      %and3A_37 = arith.constant -65536 : i32
      %and3A_38 = vector.broadcast %and3A_37 : i32 to vector<256x384xi32>
      %and3A_39 = arith.andi %get3A_34, %and3A_38 : vector<256x384xi32>
      %bitcast_convert_type3A_40 = tpu.bitcast %and3A_39 : vector<256x384xi32> -> vector<256x384xf32>
      %concatenate3A = tpu.concatenate %bitcast_convert_type3A, %bitcast_convert_type3A_40 in 1 : vector<256x384xf32>, vector<256x384xf32> -> vector<256x768xf32>
      %convert_element_type3A_41 = arith.truncf %concatenate3A : vector<256x768xf32> to vector<256x768xbf16>
      %get3A_42 = arith.index_cast %rem3A_15 : i32 to index
      %get3A_43 = arith.constant 0 : index
      %get3A_44 = arith.constant 0 : index
      %get3A_45 = vector.load %arg6[%get3A_42, %get3A_43, %get3A_44] : memref<2x768x2048xf32, #tpu.memory_space<vmem>>, vector<1x768x2048xf32>
      %get3A_46 = vector.shape_cast %get3A_45 : vector<1x768x2048xf32> to vector<768x2048xf32>
      %convert_element_type3A_47 = arith.truncf %get3A_46 : vector<768x2048xf32> to vector<768x2048xbf16>
      %dot_general3A = arith.constant dense<0.000000e+00> : vector<256x2048xf32>
      %dot_general3A_48 = tpu.matmul %convert_element_type3A_41, %convert_element_type3A_47, %dot_general3A {dimension_numbers = #tpu.dot_dimension_numbers<[1], [0], [0], [1], [0, 0, 1, 1], [], []>, transpose_lhs_hint = false} : vector<256x768xbf16>, vector<768x2048xbf16>, vector<256x2048xf32> -> vector<256x2048xf32>
      %logistic3A = arith.negf %dot_general3A_48 : vector<256x2048xf32>
      %logistic3A_49 = math.exp %logistic3A : vector<256x2048xf32>
      %logistic3A_50 = arith.constant 1.000000e+00 : f32
      %logistic3A_51 = vector.broadcast %logistic3A_50 : f32 to vector<256x2048xf32>
      %logistic3A_52 = arith.addf %logistic3A_51, %logistic3A_49 : vector<256x2048xf32>
      %logistic3A_53 = arith.divf %logistic3A_51, %logistic3A_52 : vector<256x2048xf32>
      %mul3A = arith.mulf %dot_general3A_48, %logistic3A_53 : vector<256x2048xf32>
      %convert_element_type3A_54 = arith.truncf %mul3A : vector<256x2048xf32> to vector<256x2048xbf16>
      %get3A_55 = arith.index_cast %rem3A_15 : i32 to index
      %get3A_56 = arith.constant 0 : index
      %get3A_57 = arith.constant 0 : index
      %get3A_58 = vector.load %arg7[%get3A_55, %get3A_56, %get3A_57] : memref<2x2048x768xf32, #tpu.memory_space<vmem>>, vector<1x2048x768xf32>
      %get3A_59 = vector.shape_cast %get3A_58 : vector<1x2048x768xf32> to vector<2048x768xf32>
      %convert_element_type3A_60 = arith.truncf %get3A_59 : vector<2048x768xf32> to vector<2048x768xbf16>
      %dot_general3A_61 = arith.constant dense<0.000000e+00> : vector<256x768xf32>
      %dot_general3A_62 = tpu.matmul %convert_element_type3A_54, %convert_element_type3A_60, %dot_general3A_61 {dimension_numbers = #tpu.dot_dimension_numbers<[1], [0], [0], [1], [0, 0, 1, 1], [], []>, transpose_lhs_hint = false} : vector<256x2048xbf16>, vector<2048x768xbf16>, vector<256x768xf32> -> vector<256x768xf32>
      %slice3A = vector.extract_strided_slice %dot_general3A_62 {offsets = [0, 0], sizes = [256, 384], strides = [1, 1]} : vector<256x768xf32> to vector<256x384xf32>
      %bitcast_convert_type3A_63 = tpu.bitcast %slice3A : vector<256x384xf32> -> vector<256x384xi32>
      %slice3A_64 = vector.extract_strided_slice %dot_general3A_62 {offsets = [0, 384], sizes = [256, 384], strides = [1, 1]} : vector<256x768xf32> to vector<256x384xf32>
      %bitcast_convert_type3A_65 = tpu.bitcast %slice3A_64 : vector<256x384xf32> -> vector<256x384xi32>
      %add3A_66 = arith.constant 32768 : i32
      %add3A_67 = vector.broadcast %add3A_66 : i32 to vector<256x384xi32>
      %add3A_68 = arith.addi %bitcast_convert_type3A_63, %add3A_67 : vector<256x384xi32>
      %shift_right_arithmetic3A = arith.constant 16 : i32
      %shift_right_arithmetic3A_69 = vector.broadcast %shift_right_arithmetic3A : i32 to vector<256x384xi32>
      %shift_right_arithmetic3A_70 = arith.shrsi %add3A_68, %shift_right_arithmetic3A_69 : vector<256x384xi32>
      %and3A_71 = arith.constant 65535 : i32
      %and3A_72 = vector.broadcast %and3A_71 : i32 to vector<256x384xi32>
      %and3A_73 = arith.andi %shift_right_arithmetic3A_70, %and3A_72 : vector<256x384xi32>
      %add3A_74 = arith.constant 32768 : i32
      %add3A_75 = vector.broadcast %add3A_74 : i32 to vector<256x384xi32>
      %add3A_76 = arith.addi %bitcast_convert_type3A_65, %add3A_75 : vector<256x384xi32>
      %and3A_77 = arith.constant -65536 : i32
      %and3A_78 = vector.broadcast %and3A_77 : i32 to vector<256x384xi32>
      %and3A_79 = arith.andi %add3A_76, %and3A_78 : vector<256x384xi32>
      %or3A = arith.ori %and3A_73, %and3A_79 : vector<256x384xi32>
      %swap3A = arith.constant 0 : index
      %swap3A_80 = arith.constant 0 : index
      %swap3A_81 = vector.load %arg5[%swap3A, %swap3A_80] : memref<256x384xi32, #tpu.memory_space<vmem>>, vector<256x384xi32>
      tpu.vector_store %arg5[%swap3A, %swap3A_80], %or3A {strides = array<i32>} : memref<256x384xi32, #tpu.memory_space<vmem>>, vector<256x384xi32>,
    } else {
    }
    return
  }
  func.func @transform_0(%arg0: i32, %arg1: memref<128xi32, #tpu.memory_space<smem>>) -> (i32, i32) {
    %get3A = arith.constant 24 : index
    %get3A_0 = memref.load %arg1[%get3A] : memref<128xi32, #tpu.memory_space<smem>>
    %sub3A = arith.constant 1 : i32
    %sub3A_1 = arith.subi %get3A_0, %sub3A : i32
    %min3A = arith.minsi %arg0, %sub3A_1 : i32
    %c0_i32 = arith.constant 0 : i32
    %c0_i32_2 = arith.constant 0 : i32
    return %min3A, %c0_i32 : i32, i32
  }
  func.func @transform_3(%arg0: i32, %arg1: memref<128xi32, #tpu.memory_space<smem>>) -> (i32, i32) {
    %get3A = arith.constant 24 : index
    %get3A_0 = memref.load %arg1[%get3A] : memref<128xi32, #tpu.memory_space<smem>>
    %sub3A = arith.constant 1 : i32
    %sub3A_1 = arith.subi %get3A_0, %sub3A : i32
    %min3A = arith.minsi %arg0, %sub3A_1 : i32
    %c0_i32 = arith.constant 0 : i32
    %c0_i32_2 = arith.constant 0 : i32
    return %min3A, %c0_i32 : i32, i32
  }
}

</mosaic_0001>

<sc_bundles>
// kernel: kernel.10.cloned.1.call-start
scs
__scs_entry_jumppad:
0x0: {  	(pc) =	sbr.rel $0x88, $3  }
0x1: {  	(tag) =	ssettag $0x0;
	lr =	simm.s32 $0x1  }
0x2: {  	[smem:$0x3F9B] =	sst lr;
	_ =	strace $0xD0000000  }
0x3: {  	_ = 	snop  }
0x4: {  	_ = 	snop  }
0x5: {  	_ = 	snop  }
0x6: {  	_ = 	snop  }
0x7: {  	_ = 	snop  }
__scs_overlays_trampoline_lowered:
0x8: {  	[smem:$0x3FAA] =	sst s0  }
0x9: {  	[smem:$0x3FAB] =	sst s1  }
0xa: {  	[smem:$0x3FAC] =	sst s2  }
0xb: {  	[smem:$0x3FAD] =	sst s3  }
0xc: {  	[smem:$0x3FAE] =	sst s4  }
0xd: {  	[smem:$0x3FAF] =	sst s5  }
0xe: {  	[smem:$0x3FB0] =	sst s6  }
0xf: {  	[smem:$0x3FB1] =	sst s7  }
0x10: {  	[smem:$0x3FB2] =	sst s8  }
0x11: {  	[smem:$0x3FB3] =	sst s9;
	s0 =	simm.s32 @!p0 $0x0  }
0x12: {  	s1 =	sld [smem:$0x3F99];
	s0 =	simm.s32 @p0 $0x1  }
0x13: {  	[smem:$0x3FB4] =	sst s0;
	s0 =	simm.s32 @!p1 $0x0  }
0x14: {  	s2 =	sld [smem:$0x3F98];
	s0 =	simm.s32 @p1 $0x1  }
0x15: {  	[smem:$0x3FB5] =	sst s0;
	s0 =	simm.s32 @!p2 $0x0  }
0x16: {  	s3 =	sld [smem:$0x3FDB];
	s0 =	simm.s32 @p2 $0x1  }
0x17: {  	s4 =	simm.s32 $0x1BF5;
	[smem:$0x3FB7] =	sst s0  }
0x18: {  	s0 =	sld [smem:$0x3F9A];
	_ =	swait.ge [sflag:s4], $0x0  }
0x19: {  	s7 =	sld [smem:$0x3F9B]  }
0x1a: {  	s8 =	sadd.s32 $0xFFFFE003, lr  }
0x1b: {  	s9 =	sadd.s32 $0xFFFFFEF7, lr;
	s5 =	simm.s32 $0xFFFFFFFF;
	p2 =	slt.u32 s8, $0xFFFFF086  }
0x1c: {  	p1 =	slt.u32 s9, $0xF7A;
	s5 =	simm.s32 @!p2 $0x0  }
0x1d: {  	s5 =	simm.s32 @p1 $0x1;
	p0 =	seq.s32 s7, s2  }
0x1e: {  	s7 =	smul.u32 @!p0 $0xF7A, s2;
	p2 =	seq.s32 @!p0 s5, $0x0  }
0x1f: {  	s9 =	smul.u32 $0xF7A, s1;
	s8 =	simm.s32 @!p0 $0x1BF5;
	p2 =	por !p2, p0  }
0x20: {  	[sflag:s8] =	ssyncset.s32 @!p0 $0xFFFFF086;
	s6 =	sadd.s32 @!p0 s3, s7;
	s7 =	simm.s32 @!p0 $0x108  }
0x21: {  	s3 =	sadd.s32 s3, s9;
	s6 =	sadd.s32 @!p0 $0x88, s6;
	s7 =	simm.s32 @p2 $0x1082  }
0x22: {  	[simem:s7], [sflag:s8] =	dma.local @!p0 [hbm:s6], $0xF7A  }
0x23: {  	s9 =	sor.u32 $0xD0000000, s2;
	s6 =	simm.s32 $0x108;
	_ =	swait.ge @!p0 [sflag:s8], $0x0  }
0x24: {  	s3 =	sadd.s32 $0x88, s3;
	s6 =	simm.s32 @!p1 $0x1082;
	[sflag:s4] =	ssyncset.s32 $0xFFFFF086  }
0x25: {  	[simem:s6], [sflag:s4] =	dma.local [hbm:s3], $0xF7A  }
0x26: {  	[smem:$0x3F9B] =	sst s1;
	(tag) =	ssettag s2;
	_ =	strace s9  }
0x27: {  	s1 =	sld [smem:$0x3FAB]  }
0x28: {  	s2 =	sld [smem:$0x3FAC]  }
0x29: {  	s4 =	sld [smem:$0x3FAE]  }
0x2a: {  	p0 =	seq.s32 s5, $0x0;
	s5 =	sld [smem:$0x3FAF]  }
0x2b: {  	s6 =	sld [smem:$0x3FB0]  }
0x2c: {  	s7 =	sld [smem:$0x3FB1]  }
0x2d: {  	s3 =	simm.s32 $0x108;
	s8 =	sld [smem:$0x3FB2]  }
0x2e: {  	s3 =	simm.s32 @!p0 $0x1082;
	s9 =	sld [smem:$0x3FB3]  }
0x2f: {  	lr =	sadd.s32 s0, s3;
	s0 =	sld [smem:$0x3FAA]  }
0x30: {  	s3 =	sld [smem:$0x3FAD]  }
0x31: {  	[smem:$0x3FB6] =	sst s10  }
0x32: {  	s10 =	sld [smem:$0x3FB4];
	_ =	sdelay $0x3  }
0x33: {  	p0 =	seq.s32 s10, $0x1;
	s10 =	sld [smem:$0x3FB6];
	_ =	sdelay $0x3  }
0x34: {  	[smem:$0x3FB6] =	sst s10  }
0x35: {  	s10 =	sld [smem:$0x3FB5];
	_ =	sdelay $0x3  }
0x36: {  	p1 =	seq.s32 s10, $0x1;
	s10 =	sld [smem:$0x3FB6];
	_ =	sdelay $0x3  }
0x37: {  	[smem:$0x3FB6] =	sst s10  }
0x38: {  	s10 =	sld [smem:$0x3FB7]  }
0x39: {  	_ = 	snop;
	(pc) =	sbr.ind lr, $3  }
0x3a: {  	_ = 	snop  }
0x3b: {  	_ = 	snop  }
0x3c: {  	p2 =	seq.s32 s10, $0x1;
	s10 =	sld [smem:$0x3FB6]  }
0x3d: {  	_ =	shalt  }
0x3e: {  	_ =	shalt  }
0x3f: {  	_ =	shalt  }
0x40: {  	_ =	shalt  }
0x41: {  	_ =	shalt  }
0x42: {  	_ =	shalt  }
0x43: {  	_ =	shalt  }
0x44: {  	_ =	shalt  }
0x45: {  	_ =	shalt  }
0x46: {  	_ =	shalt  }
0x47: {  	_ =	shalt  }
0x48: {  	_ =	shalt  }
0x49: {  	_ =	shalt  }
0x4a: {  	_ =	shalt  }
0x4b: {  	_ =	shalt  }
0x4c: {  	_ =	shalt  }
0x4d: {  	_ =	shalt  }
0x4e: {  	_ =	shalt  }
0x4f: {  	_ =	shalt  }
0x50: {  	_ =	shalt  }
0x51: {  	_ =	shalt  }
0x52: {  	_ =	shalt  }
0x53: {  	_ =	shalt  }
0x54: {  	_ =	shalt  }
0x55: {  	_ =	shalt  }
0x56: {  	_ =	shalt  }
0x57: {  	_ =	shalt  }
0x58: {  	_ =	shalt  }
0x59: {  	_ =	shalt  }
0x5a: {  	_ =	shalt  }
0x5b: {  	_ =	shalt  }
0x5c: {  	_ =	shalt  }
0x5d: {  	_ =	shalt  }
0x5e: {  	_ =	shalt  }
0x5f: {  	_ =	shalt  }
0x60: {  	_ =	shalt  }
0x61: {  	_ =	shalt  }
0x62: {  	_ =	shalt  }
0x63: {  	_ =	shalt  }
0x64: {  	_ =	shalt  }
0x65: {  	_ =	shalt  }
0x66: {  	_ =	shalt  }
0x67: {  	_ =	shalt  }
0x68: {  	_ =	shalt  }
0x69: {  	_ =	shalt  }
0x6a: {  	_ =	shalt  }
0x6b: {  	_ =	shalt  }
0x6c: {  	_ =	shalt  }
0x6d: {  	_ =	shalt  }
0x6e: {  	_ =	shalt  }
0x6f: {  	_ =	shalt  }
0x70: {  	_ =	shalt  }
0x71: {  	_ =	shalt  }
0x72: {  	_ =	shalt  }
0x73: {  	_ =	shalt  }
0x74: {  	_ =	shalt  }
0x75: {  	_ =	shalt  }
0x76: {  	_ =	shalt  }
0x77: {  	_ =	shalt  }
0x78: {  	_ =	shalt  }
0x79: {  	_ =	shalt  }
0x7a: {  	_ =	shalt  }
0x7b: {  	_ =	shalt  }
0x7c: {  	_ =	shalt  }
0x7d: {  	_ =	shalt  }
0x7e: {  	_ =	shalt  }
0x7f: {  	_ =	shalt  }
0x80: {  	_ =	shalt  }
0x81: {  	_ =	shalt  }
0x82: {  	_ =	shalt  }
0x83: {  	_ =	shalt  }
0x84: {  	_ =	shalt  }
0x85: {  	_ =	shalt  }
0x86: {  	_ =	shalt  }
0x87: {  	_ =	shalt  }
.Lfunc_end0:
.L_simem_size_0:
called_computation.1_lowered:
.L_overlay_start_0:
0x88: {  	s2 =	sld [smem:$0x3FD9]  }
0x89: {  	s3 =	sld [smem:$0x3FFE];
	_ =	sdelay $0x1  }
0x8a: {  	s1 =	srdreg.scid  }
0x8b: {  	s0 =	sand.u32 $0x1, s1  }
0x8c: {  	s17 =	sshll.u32 s0, $0xA;
	s2 =	sadd.s32 s3, s2  }
0x8d: {  	s2 =	sadd.s32 s2, s17  }
0x8e: {  	[smem:$0x3FC2] =	sst s2  }
0x8f: {  	_ = 	snop  }
0x90: {  	s2 =	sld [smem:$0x3FD0];
	(tm) =	ssettm $0x1  }
0x91: {  	s18 =	sld [smem:$0x3FFB];
	_ =	sdelay $0x3  }
0x92: {  	_ =	strace s18  }
0x93: {  	s3 =	sld [smem:$0x3FFC];
	_ =	sdelay $0x3  }
0x94: {  	_ =	strace s3  }
0x95: {  	s3 =	sld [smem:$0x3FFD];
	_ =	sdelay $0x3  }
0x96: {  	_ =	strace s3  }
0x97: {  	_ =	strace $0x8FFFFFFF  }
0x98: {  	s19 =	sld [smem:$0x3FDB];
	_ =	sdelay $0x1  }
0x99: {  	s4 =	simm.s32 $_scs_section_size  }
0x9a: {  	s5 =	simm.s32 $_size__tile_overlayer_lowered;
	s6 =	simm.s32 $_tile_overlayer_lowered  }
0x9b: {  	s22 =	simm.s32 $0x1BFF;
	s21 =	sshll.u32 s6, $0x1;
	s3 =	sadd.s32 s4, s19  }
0x9c: {  	s7 =	simm.s32 $0x0;
	s20 =	sshll.u32 s5, $0x1;
	s5 =	sadd.s32 s21, s3  }
0x9d: {  	[timem:s7], [sflag:s22] =	dma.local [hbm:s5], s20  }
0x9e: {  	_ =	swait.ge [sflag:s22], s20  }
0x9f: {  	s4 =	ssub.s32 $0x0, s20;
	[sflag:s22] =	ssyncset.done $0x0  }
0xa0: {  	[sflag:s22] =	ssyncadd.s32 s4;
	_ =	sdelay $0x1  }
0xa1: {  	s23 =	simm.s32 $0x1B8B  }
0xa2: {  	_ =	swait.ge [sflag:s23], $0x1  }
0xa3: {  	[sflag:s23] =	ssyncset.done $0x0  }
0xa4: {  	s25 =	simm.s32 $0x1B8E;
	s24 =	sld [smem:$0x3FFE];
	[sflag:s23] =	ssyncadd.s32 $0xFFFFFFFF  }
0xa5: {  	s26 =	simm.s32 $execute0_lowered;
	[smem:$0x3FD2] =	sst s25  }
0xa6: {  	s5 =	sshll.u32 s26, $0x1;
	_ =	strace $0x80000049;
	[dreg:$0x1] =	wrdreg $0xFFFFFFFF  }
0xa7: {  	s28 =	simm.s32 $_size_execute0_lowered;
	s3 =	sadd.s32 s3, s5;
	[dreg:$0x0] =	wrdreg $0x0  }
0xa8: {  	s5 =	sshll.u32 s28, $0x1;
	[dreg:$0x2] =	wrdreg s3  }
0xa9: {  	[dreg:$0x3] =	wrdreg s5  }
0xaa: {  	[dreg:$0x4] =	wrdreg $0xC0  }
0xab: {  	_ =	task [dreg:s7], $0x5FFFF  }
0xac: {  	[dreg:$0x1] =	wrdreg $0xFFFFFFFF  }
0xad: {  	[dreg:$0x0] =	wrdreg $0x60  }
0xae: {  	[dreg:$0x2] =	wrdreg s24  }
0xaf: {  	[dreg:$0x3] =	wrdreg s2  }
0xb0: {  	[dreg:$0x4] =	wrdreg $0x9  }
0xb1: {  	_ =	task.clear_ibuf [dreg:s7], $0x5FFFF;
	_ =	strace $0x90000049  }
0xb2: {  	s29 =	simm.s32 $0x9;
	_ =	strace $0x8000004B  }
0xb3: {  	_ =	swait.ge [sflag:s29], $0x1  }
0xb4: {  	[sflag:s29] =	ssyncadd.s32 $0xFFFFFFFF  }
0xb5: {  	_ =	strace $0x9000004B  }
0xb6: {  	_ =	sfence  }
0xb7: {  	s30 =	sld [smem:$0x0];
	_ =	sdelay $0x2  }
0xb8: {  	s31 =	sshll.u32 s1, $0xD;
	s1 =	sshrl.u32 s1, $0x2  }
0xb9: {  	s3 =	sand.u32 $0x4000, s31;
	s1 =	sadd.s32 s1, s30  }
0xba: {  	s0 =	sor.u32 s3, s0;
	s1 =	sshll.u32 s1, $0x11  }
0xbb: {  	s0 =	sor.u32 s1, s0  }
0xbc: {  	s0 =	sadd.s32 $0x8F2B, s0  }
0xbd: {  	[sflag:s0] =	ssyncadd.remote.s32 $0x1  }
0xbe: {  	_ =	sfence.sel $0xFFFF  }
0xbf: {  	[dreg:$0x0] =	wrdreg $0xFFFFFFFF;
	(pc) =	sbr.abs _section_cstart, $3  }
0xc0: {  	[dreg:$0x1] =	wrdreg $0xFFFFFFFF  }
0xc1: {  	_ =	task.clear_ibuf [dreg:s7], $0x2FFFF;
	_ =	strace $0x9FFFFFFF  }
0xc2: {  	(tm) =	ssettm $0x7FFFFFFF  }
0xc3: {  	_ =	shalt  }
tec
execute0_lowered:
.L_overlay_start_1:
0x0: {  	(tag) =	ssettag $0x1  }
0x1: {  	s1 =	srdreg.scid;
	s4 =	rddreg [dreg:$0x0]  }
0x2: {  	s0 =	stileid.u32;
	s3 =	rddreg [dreg:$0x1]  }
0x3: {  	s2 =	simm.s32 $0x0;
	s18 =	simm.s32 $0x880;
	s19 =	simm.s32 $0xC80  }
0x4: {  	s20 =	simm.s32 $0x1480;
	s21 =	simm.s32 $0x1880;
	s23 =	simm.s32 $0x2080  }
0x5: {  	s24 =	simm.s32 $0x2480;
	s25 =	simm.s32 $0x2C80;
	s26 =	simm.s32 $0x3080  }
0x6: {  	s7 =	simm.s32 $0x80;
	s9 =	simm.s32 $0x3C80;
	s10 =	simm.s32 $0x4480  }
0x7: {  	s11 =	simm.s32 $0x4880;
	s12 =	simm.s32 $0x5080;
	[smem:$0x7FF] =	sst s2  }
0x8: {  	s13 =	simm.s32 $0x5480;
	_ =	strace $0x8000004A;
	[dreg:$0x5] =	wrdreg s18  }
0x9: {  	s14 =	simm.s32 $0x5C80;
	s15 =	simm.s32 $0x6080;
	[dreg:$0x6] =	wrdreg s19  }
0xa: {  	s16 =	simm.s32 $0x6880;
	s17 =	simm.s32 $0x6C80;
	[dreg:$0x7] =	wrdreg s20  }
0xb: {  	s28 =	simm.s32 $0xA880;
	s29 =	simm.s32 $0xB080;
	[dreg:$0x8] =	wrdreg s21  }
0xc: {  	s30 =	simm.s32 $0xB480;
	s31 =	simm.s32 $0xBC80;
	[dreg:$0x9] =	wrdreg s23  }
0xd: {  	s1 =	sand.u32 $0x1, s1;
	s5 =	sshll.u32 s0, $0x5;
	[dreg:$0xa] =	wrdreg s24  }
0xe: {  	s6 =	sshll.u32 s1, $0x4;
	s1 =	ssub.s32 $0x2, s1;
	[dreg:$0xb] =	wrdreg s25  }
0xf: {  	[dreg:$0xc] =	wrdreg s26;
	s18 =	simm.s32 $0x7480;
	s19 =	simm.s32 $0x7880  }
0x10: {  	s20 =	simm.s32 $0x8080;
	s21 =	simm.s32 $0x8480;
	s23 =	simm.s32 $0x9080  }
0x11: {  	s24 =	simm.s32 $0x9880;
	s25 =	simm.s32 $0x9C80;
	s5 =	sor.u32 s6, s5  }
0x12: {  	s22 =	sshrl.u32 s1, $0x1;
	s6 =	sadd.s32 s5, s4;
	s5 =	smul.u32 $0x180, s5  }
0x13: {  	s26 =	simm.s32 $0xA480;
	s1 =	ssub.s32 s1, s22;
	s6 =	sadd.s32 $0x1200, s6  }
0x14: {  	v2 =	vlaneseq.u32;
	s22 =	simm.s32 $0x8C80;
	[dreg:$0x3] =	wrdreg s6;
	s3 =	sadd.s32 s3, s5  }
0x15: {  	vm0 =	vmmov $0xffff;
	vm1 =	vmmov $0xff;
	v1 =	vshrl.u32 v2, $0x3;
	s5 =	smax.u32 s1, $0x1;
	s6 =	simm.s32 $0x2;
	s1 =	simm.s32 $0x1  }
0x16: {  	v0 =	vand.u32 $0x7, v2;
	v2 =	vor.u32 $0x8, v2;
	v1 =	vmul.u32 $0x8, v1;
	[dreg:$0x4] =	wrdreg s3;
	s3 =	sadd.s32 $0x1400, s4;
	s4 =	sadd.s32 $0x1500, s4  }
.LBB2_1:
0x17: {  	s0 =	rddreg [dreg:$0x3]  }
0x18: {  	[tilespmem:s2], [sflag:$0x2] =	stream.linear.gather [hbm4b:s0+s2], $0x80, $0x38;
	[tilespmem:$0xC080] =	vst v63  }
0x19: {  	_ =	swait.ge [sflag:s6], $0x80  }
0x1a: {  	[sflag:s6] =	ssyncset.done $0x0  }
0x1b: {  	[sflag:s6] =	ssyncadd.s32 $0xFFFFFF80  }
0x1c: {  	v3 =	vld [tilespmem:$0x0];
	_ =	sdelay $0x4  }
0x1d: {  	v4 =	vshrl.u32 v3, $0x3  }
0x1e: {  	v4 =	vmul.u32 $0x18, v4  }
0x1f: {  	v3 =	vand.u32 $0x7, v3  }
0x20: {  	v3 =	vor.u32 v3, v4  }
0x21: {  	v4 =	vperm.xlane v3, v0;
	_ =	sdelay $0x1  }
0x22: {  	v4 =	vadd.s32 v1, v4;
	_ =	sdelay $0x1  }
0x23: {  	v3 =	vperm.xlane v3, v2;
	_ =	sdelay $0x1  }
0x24: {  	v3 =	vadd.s32 v1, v3  }
0x25: {  	[tilespmem:s7], [sflag:$0x1] =	stream.indirect_vreg.gather [hbm4b:s3+s2], $0x80, v4, vm0, $0xb8;
	[tilespmem:$0xC080] =	vst v63  }
0x26: {  	s0 =	rddreg [dreg:$0x5]  }
0x27: {  	[tilespmem:s0], [sflag:$0x1] =	stream.indirect_vreg.gather [hbm4b:s4+s2], $0x80, v4, vm1, $0xb8;
	[tilespmem:$0xC080] =	vst v63  }
0x28: {  	s8 =	rddreg [dreg:$0x6]  }
0x29: {  	[tilespmem:s8], [sflag:$0x1] =	stream.indirect_vreg.gather [hbm4b:s3+s2], $0x80, v3, vm0, $0xb8;
	[tilespmem:$0xC080] =	vst v63  }
0x2a: {  	s0 =	rddreg [dreg:$0x7]  }
0x2b: {  	[tilespmem:s0], [sflag:$0x1] =	stream.indirect_vreg.gather [hbm4b:s4+s2], $0x80, v3, vm1, $0xb8;
	[tilespmem:$0xC080] =	vst v63  }
0x2c: {  	v3 =	vld [tilespmem:$0x10];
	_ =	sdelay $0x4  }
0x2d: {  	v57 =	vshrl.u32 v3, $0x3  }
0x2e: {  	v4 =	vmul.u32 $0x18, v57  }
0x2f: {  	v3 =	vand.u32 $0x7, v3  }
0x30: {  	v3 =	vor.u32 v3, v4  }
0x31: {  	v4 =	vperm.xlane v3, v0;
	_ =	sdelay $0x1  }
0x32: {  	v4 =	vadd.s32 v1, v4;
	_ =	sdelay $0x1  }
0x33: {  	v3 =	vperm.xlane v3, v2;
	_ =	sdelay $0x1  }
0x34: {  	s0 =	rddreg [dreg:$0x8];
	v3 =	vadd.s32 v1, v3  }
0x35: {  	[tilespmem:s0], [sflag:$0x1] =	stream.indirect_vreg.gather [hbm4b:s3+s2], $0x80, v4, vm0, $0xb8;
	[tilespmem:$0xC080] =	vst v63  }
0x36: {  	s8 =	rddreg [dreg:$0x9]  }
0x37: {  	[tilespmem:s8], [sflag:$0x1] =	stream.indirect_vreg.gather [hbm4b:s4+s2], $0x80, v4, vm1, $0xb8;
	[tilespmem:$0xC080] =	vst v63  }
0x38: {  	s0 =	rddreg [dreg:$0xa]  }
0x39: {  	[tilespmem:s0], [sflag:$0x1] =	stream.indirect_vreg.gather [hbm4b:s3+s2], $0x80, v3, vm0, $0xb8;
	[tilespmem:$0xC080] =	vst v63  }
0x3a: {  	s8 =	rddreg [dreg:$0xb]  }
0x3b: {  	[tilespmem:s8], [sflag:$0x1] =	stream.indirect_vreg.gather [hbm4b:s4+s2], $0x80, v3, vm1, $0xb8;
	[tilespmem:$0xC080] =	vst v63  }
0x3c: {  	v3 =	vld [tilespmem:$0x20];
	_ =	sdelay $0x4  }
0x3d: {  	v58 =	vshrl.u32 v3, $0x3  }
0x3e: {  	v4 =	vmul.u32 $0x18, v58  }
0x3f: {  	v3 =	vand.u32 $0x7, v3  }
0x40: {  	v3 =	vor.u32 v3, v4  }
0x41: {  	v4 =	vperm.xlane v3, v0;
	_ =	sdelay $0x1  }
0x42: {  	v4 =	vadd.s32 v1, v4;
	_ =	sdelay $0x1  }
0x43: {  	v3 =	vperm.xlane v3, v2;
	_ =	sdelay $0x1  }
0x44: {  	s8 =	rddreg [dreg:$0xc];
	v3 =	vadd.s32 v1, v3  }
0x45: {  	[tilespmem:s8], [sflag:$0x1] =	stream.indirect_vreg.gather [hbm4b:s3+s2], $0x80, v4, vm0, $0xb8;
	[tilespmem:$0xC080] =	vst v63  }
0x46: {  	s8 =	simm.s32 $0x3880  }
0x47: {  	[tilespmem:s8], [sflag:$0x1] =	stream.indirect_vreg.gather [hbm4b:s4+s2], $0x80, v4, vm1, $0xb8;
	[tilespmem:$0xC080] =	vst v63  }
0x48: {  	_ = 	snop  }
0x49: {  	[tilespmem:s9], [sflag:$0x1] =	stream.indirect_vreg.gather [hbm4b:s3+s2], $0x80, v3, vm0, $0xb8;
	[tilespmem:$0xC080] =	vst v63  }
0x4a: {  	_ = 	snop  }
0x4b: {  	[tilespmem:s10], [sflag:$0x1] =	stream.indirect_vreg.gather [hbm4b:s4+s2], $0x80, v3, vm1, $0xb8;
	[tilespmem:$0xC080] =	vst v63  }
0x4c: {  	v3 =	vld [tilespmem:$0x30];
	_ =	sdelay $0x4  }
0x4d: {  	v59 =	vshrl.u32 v3, $0x3  }
0x4e: {  	v4 =	vmul.u32 $0x18, v59  }
0x4f: {  	v3 =	vand.u32 $0x7, v3  }
0x50: {  	v3 =	vor.u32 v3, v4  }
0x51: {  	v4 =	vperm.xlane v3, v0;
	_ =	sdelay $0x1  }
0x52: {  	v4 =	vadd.s32 v1, v4;
	_ =	sdelay $0x1  }
0x53: {  	v3 =	vperm.xlane v3, v2;
	_ =	sdelay $0x1  }
0x54: {  	v3 =	vadd.s32 v1, v3  }
0x55: {  	[tilespmem:s11], [sflag:$0x1] =	stream.indirect_vreg.gather [hbm4b:s3+s2], $0x80, v4, vm0, $0xb8;
	[tilespmem:$0xC080] =	vst v63  }
0x56: {  	_ = 	snop  }
0x57: {  	[tilespmem:s12], [sflag:$0x1] =	stream.indirect_vreg.gather [hbm4b:s4+s2], $0x80, v4, vm1, $0xb8;
	[tilespmem:$0xC080] =	vst v63  }
0x58: {  	_ = 	snop  }
0x59: {  	[tilespmem:s13], [sflag:$0x1] =	stream.indirect_vreg.gather [hbm4b:s3+s2], $0x80, v3, vm0, $0xb8;
	[tilespmem:$0xC080] =	vst v63  }
0x5a: {  	_ = 	snop  }
0x5b: {  	[tilespmem:s14], [sflag:$0x1] =	stream.indirect_vreg.gather [hbm4b:s4+s2], $0x80, v3, vm1, $0xb8;
	[tilespmem:$0xC080] =	vst v63  }
0x5c: {  	v3 =	vld [tilespmem:$0x40];
	_ =	sdelay $0x4  }
0x5d: {  	v60 =	vshrl.u32 v3, $0x3  }
0x5e: {  	v4 =	vmul.u32 $0x18, v60  }
0x5f: {  	v3 =	vand.u32 $0x7, v3  }
0x60: {  	v3 =	vor.u32 v3, v4  }
0x61: {  	v4 =	vperm.xlane v3, v0;
	_ =	sdelay $0x1  }
0x62: {  	v4 =	vadd.s32 v1, v4;
	_ =	sdelay $0x1  }
0x63: {  	v3 =	vperm.xlane v3, v2;
	_ =	sdelay $0x1  }
0x64: {  	v3 =	vadd.s32 v1, v3  }
0x65: {  	[tilespmem:s15], [sflag:$0x1] =	stream.indirect_vreg.gather [hbm4b:s3+s2], $0x80, v4, vm0, $0xb8;
	[tilespmem:$0xC080] =	vst v63  }
0x66: {  	_ = 	snop  }
0x67: {  	[tilespmem:s16], [sflag:$0x1] =	stream.indirect_vreg.gather [hbm4b:s4+s2], $0x80, v4, vm1, $0xb8;
	[tilespmem:$0xC080] =	vst v63  }
0x68: {  	_ = 	snop  }
0x69: {  	[tilespmem:s17], [sflag:$0x1] =	stream.indirect_vreg.gather [hbm4b:s3+s2], $0x80, v3, vm0, $0xb8;
	[tilespmem:$0xC080] =	vst v63  }
0x6a: {  	_ = 	snop  }
0x6b: {  	[tilespmem:s18], [sflag:$0x1] =	stream.indirect_vreg.gather [hbm4b:s4+s2], $0x80, v3, vm1, $0xb8;
	[tilespmem:$0xC080] =	vst v63  }
0x6c: {  	v3 =	vld [tilespmem:$0x50];
	_ =	sdelay $0x4  }
0x6d: {  	v61 =	vshrl.u32 v3, $0x3  }
0x6e: {  	v4 =	vmul.u32 $0x18, v61  }
0x6f: {  	v3 =	vand.u32 $0x7, v3  }
0x70: {  	v3 =	vor.u32 v3, v4  }
0x71: {  	v4 =	vperm.xlane v3, v0;
	_ =	sdelay $0x1  }
0x72: {  	v4 =	vadd.s32 v1, v4;
	_ =	sdelay $0x1  }
0x73: {  	v3 =	vperm.xlane v3, v2;
	_ =	sdelay $0x1  }
0x74: {  	v3 =	vadd.s32 v1, v3  }
0x75: {  	[tilespmem:s19], [sflag:$0x1] =	stream.indirect_vreg.gather [hbm4b:s3+s2], $0x80, v4, vm0, $0xb8;
	[tilespmem:$0xC080] =	vst v63  }
0x76: {  	_ = 	snop  }
0x77: {  	[tilespmem:s20], [sflag:$0x1] =	stream.indirect_vreg.gather [hbm4b:s4+s2], $0x80, v4, vm1, $0xb8;
	[tilespmem:$0xC080] =	vst v63  }
0x78: {  	_ = 	snop  }
0x79: {  	[tilespmem:s21], [sflag:$0x1] =	stream.indirect_vreg.gather [hbm4b:s3+s2], $0x80, v3, vm0, $0xb8;
	[tilespmem:$0xC080] =	vst v63  }
0x7a: {  	_ = 	snop  }
0x7b: {  	[tilespmem:s22], [sflag:$0x1] =	stream.indirect_vreg.gather [hbm4b:s4+s2], $0x80, v3, vm1, $0xb8;
	[tilespmem:$0xC080] =	vst v63  }
0x7c: {  	v3 =	vld [tilespmem:$0x60];
	_ =	sdelay $0x4  }
0x7d: {  	v62 =	vshrl.u32 v3, $0x3  }
0x7e: {  	v4 =	vmul.u32 $0x18, v62  }
0x7f: {  	v3 =	vand.u32 $0x7, v3  }
0x80: {  	v3 =	vor.u32 v3, v4  }
0x81: {  	v4 =	vperm.xlane v3, v0;
	_ =	sdelay $0x1  }
0x82: {  	v4 =	vadd.s32 v1, v4;
	_ =	sdelay $0x1  }
0x83: {  	v3 =	vperm.xlane v3, v2;
	_ =	sdelay $0x1  }
0x84: {  	v3 =	vadd.s32 v1, v3  }
0x85: {  	[tilespmem:s23], [sflag:$0x1] =	stream.indirect_vreg.gather [hbm4b:s3+s2], $0x80, v4, vm0, $0xb8;
	[tilespmem:$0xC080] =	vst v63  }
0x86: {  	_ = 	snop  }
0x87: {  	[tilespmem:s24], [sflag:$0x1] =	stream.indirect_vreg.gather [hbm4b:s4+s2], $0x80, v4, vm1, $0xb8;
	[tilespmem:$0xC080] =	vst v63  }
0x88: {  	_ = 	snop  }
0x89: {  	[tilespmem:s25], [sflag:$0x1] =	stream.indirect_vreg.gather [hbm4b:s3+s2], $0x80, v3, vm0, $0xb8;
	[tilespmem:$0xC080] =	vst v63  }
0x8a: {  	_ = 	snop  }
0x8b: {  	[tilespmem:s26], [sflag:$0x1] =	stream.indirect_vreg.gather [hbm4b:s4+s2], $0x80, v3, vm1, $0xb8;
	[tilespmem:$0xC080] =	vst v63  }
0x8c: {  	v3 =	vld [tilespmem:$0x70];
	_ =	sdelay $0x4  }
0x8d: {  	v63 =	vshrl.u32 v3, $0x3  }
0x8e: {  	v4 =	vmul.u32 $0x18, v63  }
0x8f: {  	v3 =	vand.u32 $0x7, v3  }
0x90: {  	v3 =	vor.u32 v3, v4  }
0x91: {  	v4 =	vperm.xlane v3, v0;
	_ =	sdelay $0x1  }
0x92: {  	v4 =	vadd.s32 v1, v4;
	_ =	sdelay $0x1  }
0x93: {  	v3 =	vperm.xlane v3, v2;
	_ =	sdelay $0x1  }
0x94: {  	v3 =	vadd.s32 v1, v3  }
0x95: {  	[tilespmem:s28], [sflag:$0x1] =	stream.indirect_vreg.gather [hbm4b:s3+s2], $0x80, v4, vm0, $0xb8;
	[tilespmem:$0xC080] =	vst v63  }
0x96: {  	_ = 	snop  }
0x97: {  	[tilespmem:s29], [sflag:$0x1] =	stream.indirect_vreg.gather [hbm4b:s4+s2], $0x80, v4, vm1, $0xb8;
	[tilespmem:$0xC080] =	vst v63  }
0x98: {  	_ = 	snop  }
0x99: {  	[tilespmem:s30], [sflag:$0x1] =	stream.indirect_vreg.gather [hbm4b:s3+s2], $0x80, v3, vm0, $0xb8;
	[tilespmem:$0xC080] =	vst v63  }
0x9a: {  	_ = 	snop  }
0x9b: {  	[tilespmem:s31], [sflag:$0x1] =	stream.indirect_vreg.gather [hbm4b:s4+s2], $0x80, v3, vm1, $0xb8;
	[tilespmem:$0xC080] =	vst v63  }
0x9c: {  	_ =	swait.ge [sflag:s1], $0xC000  }
0x9d: {  	p0 =	sne.s32 s5, $0x1;
	[sflag:s1] =	ssyncset.done $0x0  }
.Ltmp0:
0x9e: {  	s8 =	rddreg [dreg:$0x4];
	[sflag:s1] =	ssyncadd.s32 $0xFFFF4000;
	(pc) =	sbr.rel @p0 .LBB2_1-.Ltmp0, $4  }
0x9f: {  	[hbm4b:s8+s2] =	stream.linear.scatter [tilespmem:s7], [sflag:$0x2], $0xC000, $0x38;
	[tilespmem:$0xC080] =	vst v63  }
0xa0: {  	_ =	swait.ge [sflag:s6], $0xC000  }
0xa1: {  	[sflag:s6] =	ssyncset.done $0x0  }
0xa2: {  	s5 =	sadd.s32 $0xFFFFFFFF, s5;
	[sflag:s6] =	ssyncadd.s32 $0xFFFF4000  }
0xa3: {  	_ =	sfence.sel $0x180000  }
0xa4: {  	[bflag:$0x0] =	sbarrier.arrive $0xFFFF  }
0xa5: {  	_ =	strace $0x9000004A  }
0xa6: {  	s0 =	stileid.u32;
	[bflag:$0x2] =	sbarrier.arrive $0xFFFF  }
0xa7: {  	p0 =	sne.s32 s0, $0x0;
	s0 =	rddreg [dreg:$0x2]  }
0xa8: {  	s0 =	sadd.s32 @!p0 $0x100000, s0  }
0xa9: {  	[sflag:s0] =	ssyncadd.tile.s32 @!p0 $0x1;
	_ =	shalt  }
.Lfunc_end2:
_tile_overlayer_lowered:
.L_overlay_start_2:
0xaa: {  	(tag) =	ssettag $0x2  }
0xab: {  	s0 =	rddreg [dreg:$0x0];
	s2 =	stileid.u32  }
0xac: {  	s1 =	rddreg [dreg:$0x1];
	p0 =	sne.s32 s2, $0x0  }
0xad: {  	s3 =	rddreg [dreg:$0x2];
	[bflag:$0x3] =	sbarrier.arrive $0xFFFF;
	s2 =	simm.s32 @!p0 $0x1C02  }
0xae: {  	[timem:s3], [sflag:s2] =	dma.local @!p0 [hbm:s0], s1  }
0xaf: {  	s0 =	simm.s32 @!p0 $0x2  }
0xb0: {  	_ =	swait.ge @!p0 [sflag:s0], s1  }
0xb1: {  	s1 =	ssub.s32 @!p0 $0x0, s1;
	[sflag:s0] =	ssyncset.done @!p0 $0x0  }
0xb2: {  	[sflag:s0] =	ssyncadd.s32 @!p0 s1  }
0xb3: {  	[bflag:$0x3] =	sbarrier.arrive $0xFFFF  }
0xb4: {  	_ =	shalt  }

// kernel: kernel.7.cloned.1.call-start
scs
__scs_entry_jumppad:
0x0: {  	(pc) =	sbr.rel $0x88, $3  }
0x1: {  	(tag) =	ssettag $0x0;
	lr =	simm.s32 $0x1  }
0x2: {  	[smem:$0x3F9B] =	sst lr;
	_ =	strace $0xD0000000  }
0x3: {  	_ = 	snop  }
0x4: {  	_ = 	snop  }
0x5: {  	_ = 	snop  }
0x6: {  	_ = 	snop  }
0x7: {  	_ = 	snop  }
__scs_overlays_trampoline_lowered:
0x8: {  	[smem:$0x3FAA] =	sst s0  }
0x9: {  	[smem:$0x3FAB] =	sst s1  }
0xa: {  	[smem:$0x3FAC] =	sst s2  }
0xb: {  	[smem:$0x3FAD] =	sst s3  }
0xc: {  	[smem:$0x3FAE] =	sst s4  }
0xd: {  	[smem:$0x3FAF] =	sst s5  }
0xe: {  	[smem:$0x3FB0] =	sst s6  }
0xf: {  	[smem:$0x3FB1] =	sst s7  }
0x10: {  	[smem:$0x3FB2] =	sst s8  }
0x11: {  	[smem:$0x3FB3] =	sst s9;
	s0 =	simm.s32 @!p0 $0x0  }
0x12: {  	s1 =	sld [smem:$0x3F99];
	s0 =	simm.s32 @p0 $0x1  }
0x13: {  	[smem:$0x3FB4] =	sst s0;
	s0 =	simm.s32 @!p1 $0x0  }
0x14: {  	s2 =	sld [smem:$0x3F98];
	s0 =	simm.s32 @p1 $0x1  }
0x15: {  	[smem:$0x3FB5] =	sst s0;
	s0 =	simm.s32 @!p2 $0x0  }
0x16: {  	s3 =	sld [smem:$0x3FDB];
	s0 =	simm.s32 @p2 $0x1  }
0x17: {  	s4 =	simm.s32 $0x1BF5;
	[smem:$0x3FB7] =	sst s0  }
0x18: {  	s0 =	sld [smem:$0x3F9A];
	_ =	swait.ge [sflag:s4], $0x0  }
0x19: {  	s7 =	sld [smem:$0x3F9B]  }
0x1a: {  	s8 =	sadd.s32 $0xFFFFE003, lr  }
0x1b: {  	s9 =	sadd.s32 $0xFFFFFEF7, lr;
	s5 =	simm.s32 $0xFFFFFFFF;
	p2 =	slt.u32 s8, $0xFFFFF086  }
0x1c: {  	p1 =	slt.u32 s9, $0xF7A;
	s5 =	simm.s32 @!p2 $0x0  }
0x1d: {  	s5 =	simm.s32 @p1 $0x1;
	p0 =	seq.s32 s7, s2  }
0x1e: {  	s7 =	smul.u32 @!p0 $0xF7A, s2;
	p2 =	seq.s32 @!p0 s5, $0x0  }
0x1f: {  	s9 =	smul.u32 $0xF7A, s1;
	s8 =	simm.s32 @!p0 $0x1BF5;
	p2 =	por !p2, p0  }
0x20: {  	[sflag:s8] =	ssyncset.s32 @!p0 $0xFFFFF086;
	s6 =	sadd.s32 @!p0 s3, s7;
	s7 =	simm.s32 @!p0 $0x108  }
0x21: {  	s3 =	sadd.s32 s3, s9;
	s6 =	sadd.s32 @!p0 $0x88, s6;
	s7 =	simm.s32 @p2 $0x1082  }
0x22: {  	[simem:s7], [sflag:s8] =	dma.local @!p0 [hbm:s6], $0xF7A  }
0x23: {  	s9 =	sor.u32 $0xD0000000, s2;
	s6 =	simm.s32 $0x108;
	_ =	swait.ge @!p0 [sflag:s8], $0x0  }
0x24: {  	s3 =	sadd.s32 $0x88, s3;
	s6 =	simm.s32 @!p1 $0x1082;
	[sflag:s4] =	ssyncset.s32 $0xFFFFF086  }
0x25: {  	[simem:s6], [sflag:s4] =	dma.local [hbm:s3], $0xF7A  }
0x26: {  	[smem:$0x3F9B] =	sst s1;
	(tag) =	ssettag s2;
	_ =	strace s9  }
0x27: {  	s1 =	sld [smem:$0x3FAB]  }
0x28: {  	s2 =	sld [smem:$0x3FAC]  }
0x29: {  	s4 =	sld [smem:$0x3FAE]  }
0x2a: {  	p0 =	seq.s32 s5, $0x0;
	s5 =	sld [smem:$0x3FAF]  }
0x2b: {  	s6 =	sld [smem:$0x3FB0]  }
0x2c: {  	s7 =	sld [smem:$0x3FB1]  }
0x2d: {  	s3 =	simm.s32 $0x108;
	s8 =	sld [smem:$0x3FB2]  }
0x2e: {  	s3 =	simm.s32 @!p0 $0x1082;
	s9 =	sld [smem:$0x3FB3]  }
0x2f: {  	lr =	sadd.s32 s0, s3;
	s0 =	sld [smem:$0x3FAA]  }
0x30: {  	s3 =	sld [smem:$0x3FAD]  }
0x31: {  	[smem:$0x3FB6] =	sst s10  }
0x32: {  	s10 =	sld [smem:$0x3FB4];
	_ =	sdelay $0x3  }
0x33: {  	p0 =	seq.s32 s10, $0x1;
	s10 =	sld [smem:$0x3FB6];
	_ =	sdelay $0x3  }
0x34: {  	[smem:$0x3FB6] =	sst s10  }
0x35: {  	s10 =	sld [smem:$0x3FB5];
	_ =	sdelay $0x3  }
0x36: {  	p1 =	seq.s32 s10, $0x1;
	s10 =	sld [smem:$0x3FB6];
	_ =	sdelay $0x3  }
0x37: {  	[smem:$0x3FB6] =	sst s10  }
0x38: {  	s10 =	sld [smem:$0x3FB7]  }
0x39: {  	_ = 	snop;
	(pc) =	sbr.ind lr, $3  }
0x3a: {  	_ = 	snop  }
0x3b: {  	_ = 	snop  }
0x3c: {  	p2 =	seq.s32 s10, $0x1;
	s10 =	sld [smem:$0x3FB6]  }
0x3d: {  	_ =	shalt  }
0x3e: {  	_ =	shalt  }
0x3f: {  	_ =	shalt  }
0x40: {  	_ =	shalt  }
0x41: {  	_ =	shalt  }
0x42: {  	_ =	shalt  }
0x43: {  	_ =	shalt  }
0x44: {  	_ =	shalt  }
0x45: {  	_ =	shalt  }
0x46: {  	_ =	shalt  }
0x47: {  	_ =	shalt  }
0x48: {  	_ =	shalt  }
0x49: {  	_ =	shalt  }
0x4a: {  	_ =	shalt  }
0x4b: {  	_ =	shalt  }
0x4c: {  	_ =	shalt  }
0x4d: {  	_ =	shalt  }
0x4e: {  	_ =	shalt  }
0x4f: {  	_ =	shalt  }
0x50: {  	_ =	shalt  }
0x51: {  	_ =	shalt  }
0x52: {  	_ =	shalt  }
0x53: {  	_ =	shalt  }
0x54: {  	_ =	shalt  }
0x55: {  	_ =	shalt  }
0x56: {  	_ =	shalt  }
0x57: {  	_ =	shalt  }
0x58: {  	_ =	shalt  }
0x59: {  	_ =	shalt  }
0x5a: {  	_ =	shalt  }
0x5b: {  	_ =	shalt  }
0x5c: {  	_ =	shalt  }
0x5d: {  	_ =	shalt  }
0x5e: {  	_ =	shalt  }
0x5f: {  	_ =	shalt  }
0x60: {  	_ =	shalt  }
0x61: {  	_ =	shalt  }
0x62: {  	_ =	shalt  }
0x63: {  	_ =	shalt  }
0x64: {  	_ =	shalt  }
0x65: {  	_ =	shalt  }
0x66: {  	_ =	shalt  }
0x67: {  	_ =	shalt  }
0x68: {  	_ =	shalt  }
0x69: {  	_ =	shalt  }
0x6a: {  	_ =	shalt  }
0x6b: {  	_ =	shalt  }
0x6c: {  	_ =	shalt  }
0x6d: {  	_ =	shalt  }
0x6e: {  	_ =	shalt  }
0x6f: {  	_ =	shalt  }
0x70: {  	_ =	shalt  }
0x71: {  	_ =	shalt  }
0x72: {  	_ =	shalt  }
0x73: {  	_ =	shalt  }
0x74: {  	_ =	shalt  }
0x75: {  	_ =	shalt  }
0x76: {  	_ =	shalt  }
0x77: {  	_ =	shalt  }
0x78: {  	_ =	shalt  }
0x79: {  	_ =	shalt  }
0x7a: {  	_ =	shalt  }
0x7b: {  	_ =	shalt  }
0x7c: {  	_ =	shalt  }
0x7d: {  	_ =	shalt  }
0x7e: {  	_ =	shalt  }
0x7f: {  	_ =	shalt  }
0x80: {  	_ =	shalt  }
0x81: {  	_ =	shalt  }
0x82: {  	_ =	shalt  }
0x83: {  	_ =	shalt  }
0x84: {  	_ =	shalt  }
0x85: {  	_ =	shalt  }
0x86: {  	_ =	shalt  }
0x87: {  	_ =	shalt  }
.Lfunc_end0:
.L_simem_size_0:
called_computation_lowered:
.L_overlay_start_0:
0x88: {  	s2 =	sld [smem:$0x3FD9]  }
0x89: {  	s3 =	sld [smem:$0x3FFE];
	_ =	sdelay $0x1  }
0x8a: {  	s1 =	srdreg.scid  }
0x8b: {  	s0 =	sand.u32 $0x1, s1  }
0x8c: {  	s17 =	sshll.u32 s0, $0xA;
	s2 =	sadd.s32 s3, s2  }
0x8d: {  	s2 =	sadd.s32 s2, s17  }
0x8e: {  	[smem:$0x3FC2] =	sst s2  }
0x8f: {  	_ = 	snop  }
0x90: {  	s2 =	sld [smem:$0x3FD0];
	(tm) =	ssettm $0x1  }
0x91: {  	s18 =	sld [smem:$0x3FFB];
	_ =	sdelay $0x3  }
0x92: {  	_ =	strace s18  }
0x93: {  	s3 =	sld [smem:$0x3FFC];
	_ =	sdelay $0x3  }
0x94: {  	_ =	strace s3  }
0x95: {  	s3 =	sld [smem:$0x3FFD];
	_ =	sdelay $0x3  }
0x96: {  	_ =	strace s3  }
0x97: {  	_ =	strace $0x8FFFFFFF  }
0x98: {  	s19 =	sld [smem:$0x3FDB];
	_ =	sdelay $0x1  }
0x99: {  	s4 =	simm.s32 $_scs_section_size  }
0x9a: {  	s5 =	simm.s32 $_size__tile_overlayer_lowered;
	s6 =	simm.s32 $_tile_overlayer_lowered  }
0x9b: {  	s22 =	simm.s32 $0x1BFF;
	s21 =	sshll.u32 s6, $0x1;
	s3 =	sadd.s32 s4, s19  }
0x9c: {  	s7 =	simm.s32 $0x0;
	s20 =	sshll.u32 s5, $0x1;
	s5 =	sadd.s32 s21, s3  }
0x9d: {  	[timem:s7], [sflag:s22] =	dma.local [hbm:s5], s20  }
0x9e: {  	_ =	swait.ge [sflag:s22], s20  }
0x9f: {  	s4 =	ssub.s32 $0x0, s20;
	[sflag:s22] =	ssyncset.done $0x0  }
0xa0: {  	[sflag:s22] =	ssyncadd.s32 s4;
	_ =	sdelay $0x1  }
0xa1: {  	s23 =	simm.s32 $0x1B8B  }
0xa2: {  	_ =	swait.ge [sflag:s23], $0x1  }
0xa3: {  	[sflag:s23] =	ssyncset.done $0x0  }
0xa4: {  	s25 =	simm.s32 $0x1B8E;
	s24 =	sld [smem:$0x3FFE];
	[sflag:s23] =	ssyncadd.s32 $0xFFFFFFFF  }
0xa5: {  	s26 =	simm.s32 $execute0_lowered;
	[smem:$0x3FD2] =	sst s25  }
0xa6: {  	s5 =	sshll.u32 s26, $0x1;
	_ =	strace $0x80000046;
	[dreg:$0x1] =	wrdreg $0xFFFFFFFF  }
0xa7: {  	s28 =	simm.s32 $_size_execute0_lowered;
	s3 =	sadd.s32 s3, s5;
	[dreg:$0x0] =	wrdreg $0x0  }
0xa8: {  	s5 =	sshll.u32 s28, $0x1;
	[dreg:$0x2] =	wrdreg s3  }
0xa9: {  	[dreg:$0x3] =	wrdreg s5  }
0xaa: {  	[dreg:$0x4] =	wrdreg $0xC0  }
0xab: {  	_ =	task [dreg:s7], $0x5FFFF  }
0xac: {  	[dreg:$0x1] =	wrdreg $0xFFFFFFFF  }
0xad: {  	[dreg:$0x0] =	wrdreg $0x60  }
0xae: {  	[dreg:$0x2] =	wrdreg s2  }
0xaf: {  	[dreg:$0x3] =	wrdreg s24  }
0xb0: {  	[dreg:$0x4] =	wrdreg $0x9  }
0xb1: {  	_ =	task.clear_ibuf [dreg:s7], $0x5FFFF;
	_ =	strace $0x90000046  }
0xb2: {  	s29 =	simm.s32 $0x9;
	_ =	strace $0x80000048  }
0xb3: {  	_ =	swait.ge [sflag:s29], $0x1  }
0xb4: {  	[sflag:s29] =	ssyncadd.s32 $0xFFFFFFFF  }
0xb5: {  	_ =	strace $0x90000048  }
0xb6: {  	_ =	sfence  }
0xb7: {  	s30 =	sld [smem:$0x0];
	_ =	sdelay $0x2  }
0xb8: {  	s31 =	sshll.u32 s1, $0xD;
	s1 =	sshrl.u32 s1, $0x2  }
0xb9: {  	s3 =	sand.u32 $0x4000, s31;
	s1 =	sadd.s32 s1, s30  }
0xba: {  	s0 =	sor.u32 s3, s0;
	s1 =	sshll.u32 s1, $0x11  }
0xbb: {  	s0 =	sor.u32 s1, s0  }
0xbc: {  	s0 =	sadd.s32 $0x8F2B, s0  }
0xbd: {  	[sflag:s0] =	ssyncadd.remote.s32 $0x1  }
0xbe: {  	_ =	sfence.sel $0xFFFF  }
0xbf: {  	[dreg:$0x0] =	wrdreg $0xFFFFFFFF;
	(pc) =	sbr.abs _section_cstart, $3  }
0xc0: {  	[dreg:$0x1] =	wrdreg $0xFFFFFFFF  }
0xc1: {  	_ =	task.clear_ibuf [dreg:s7], $0x2FFFF;
	_ =	strace $0x9FFFFFFF  }
0xc2: {  	(tm) =	ssettm $0x7FFFFFFF  }
0xc3: {  	_ =	shalt  }
tec
execute0_lowered:
.L_overlay_start_1:
0x0: {  	(tag) =	ssettag $0x1  }
0x1: {  	s1 =	srdreg.scid;
	s3 =	rddreg [dreg:$0x0]  }
0x2: {  	s0 =	stileid.u32;
	s5 =	rddreg [dreg:$0x1];
	s18 =	simm.s32 $0x880  }
0x3: {  	s19 =	simm.s32 $0xC80;
	s20 =	simm.s32 $0x1480;
	s21 =	simm.s32 $0x1880  }
0x4: {  	s23 =	simm.s32 $0x2080;
	s24 =	simm.s32 $0x2480;
	s25 =	simm.s32 $0x2C80  }
0x5: {  	s26 =	simm.s32 $0x3080;
	s7 =	simm.s32 $0x80;
	s9 =	simm.s32 $0x3C80  }
0x6: {  	s10 =	simm.s32 $0x4480;
	s11 =	simm.s32 $0x4880;
	s1 =	sand.u32 $0x1, s1  }
0x7: {  	s12 =	simm.s32 $0x5080;
	s2 =	sshll.u32 s0, $0x5;
	s4 =	sshll.u32 s1, $0x4  }
0x8: {  	s13 =	simm.s32 $0x5480;
	s4 =	sor.u32 s4, s2;
	s2 =	simm.s32 $0x0  }
0x9: {  	s14 =	simm.s32 $0x5C80;
	s15 =	simm.s32 $0x6080;
	[smem:$0x7FF] =	sst s2  }
0xa: {  	s16 =	simm.s32 $0x6880;
	_ =	strace $0x80000047;
	[dreg:$0x5] =	wrdreg s18  }
0xb: {  	s17 =	simm.s32 $0x6C80;
	s28 =	simm.s32 $0xA880;
	[dreg:$0x6] =	wrdreg s19  }
0xc: {  	s29 =	simm.s32 $0xB080;
	s30 =	simm.s32 $0xB480;
	[dreg:$0x7] =	wrdreg s20  }
0xd: {  	s31 =	simm.s32 $0xBC80;
	s1 =	ssub.s32 $0x2, s1;
	[dreg:$0x8] =	wrdreg s21  }
0xe: {  	s22 =	sshrl.u32 s1, $0x1;
	s6 =	sand.u32 $0xF0, s4;
	[dreg:$0x9] =	wrdreg s23  }
0xf: {  	s4 =	sadd.s32 s4, s5;
	s1 =	ssub.s32 s1, s22;
	[dreg:$0xa] =	wrdreg s24  }
0x10: {  	s22 =	simm.s32 $0x8C80;
	s6 =	smul.u32 $0x180, s6;
	[dreg:$0xb] =	wrdreg s25  }
0x11: {  	s4 =	sadd.s32 $0x1200, s4;
	[dreg:$0xc] =	wrdreg s26;
	s18 =	simm.s32 $0x7480  }
0x12: {  	s19 =	simm.s32 $0x7880;
	s20 =	simm.s32 $0x8080;
	s21 =	simm.s32 $0x8480  }
0x13: {  	s23 =	simm.s32 $0x9080;
	s24 =	simm.s32 $0x9880;
	s25 =	simm.s32 $0x9C80  }
0x14: {  	v2 =	vlaneseq.u32;
	s26 =	simm.s32 $0xA480;
	[dreg:$0x3] =	wrdreg s4;
	s3 =	sadd.s32 s3, s6  }
0x15: {  	vm0 =	vmmov $0xffff;
	vm1 =	vmmov $0xff;
	v1 =	vshrl.u32 v2, $0x3;
	s4 =	sadd.s32 $0x1500, s5;
	s6 =	simm.s32 $0x2;
	[dreg:$0x4] =	wrdreg s3  }
0x16: {  	v0 =	vand.u32 $0x7, v2;
	v2 =	vor.u32 $0x8, v2;
	v1 =	vmul.u32 $0x8, v1;
	s3 =	sadd.s32 $0x1400, s5;
	s5 =	smax.u32 s1, $0x1;
	s1 =	simm.s32 $0x1  }
.LBB2_1:
0x17: {  	s0 =	rddreg [dreg:$0x3]  }
0x18: {  	[tilespmem:s2], [sflag:$0x2] =	stream.linear.gather [hbm4b:s0+s2], $0x80, $0x38;
	[tilespmem:$0xC080] =	vst v63  }
0x19: {  	_ =	swait.ge [sflag:s6], $0x80  }
0x1a: {  	[sflag:s6] =	ssyncset.done $0x0  }
0x1b: {  	s8 =	rddreg [dreg:$0x4];
	[sflag:s6] =	ssyncadd.s32 $0xFFFFFF80  }
0x1c: {  	[tilespmem:s7], [sflag:$0x2] =	stream.linear.gather [hbm4b:s8+s2], $0xC000, $0x38;
	[tilespmem:$0xC080] =	vst v63  }
0x1d: {  	_ =	swait.ge [sflag:s6], $0xC000  }
0x1e: {  	[sflag:s6] =	ssyncset.done $0x0  }
0x1f: {  	[sflag:s6] =	ssyncadd.s32 $0xFFFF4000  }
0x20: {  	v3 =	vld [tilespmem:$0x0];
	_ =	sdelay $0x4  }
0x21: {  	v4 =	vshrl.u32 v3, $0x3  }
0x22: {  	v4 =	vmul.u32 $0x18, v4  }
0x23: {  	v3 =	vand.u32 $0x7, v3  }
0x24: {  	v3 =	vor.u32 v3, v4  }
0x25: {  	v4 =	vperm.xlane v3, v0;
	_ =	sdelay $0x1  }
0x26: {  	v4 =	vadd.s32 v1, v4;
	_ =	sdelay $0x1  }
0x27: {  	v3 =	vperm.xlane v3, v2;
	_ =	sdelay $0x1  }
0x28: {  	v3 =	vadd.s32 v1, v3  }
0x29: {  	[hbm4b:s3+s2] =	stream.indirect_vreg.scatter [tilespmem:s7], [sflag:$0x1], $0x80, v4, vm0, $0xb8;
	[tilespmem:$0xC080] =	vst v63  }
0x2a: {  	s0 =	rddreg [dreg:$0x5]  }
0x2b: {  	[hbm4b:s4+s2] =	stream.indirect_vreg.scatter [tilespmem:s0], [sflag:$0x1], $0x80, v4, vm1, $0xb8;
	[tilespmem:$0xC080] =	vst v63  }
0x2c: {  	s8 =	rddreg [dreg:$0x6]  }
0x2d: {  	[hbm4b:s3+s2] =	stream.indirect_vreg.scatter [tilespmem:s8], [sflag:$0x1], $0x80, v3, vm0, $0xb8;
	[tilespmem:$0xC080] =	vst v63  }
0x2e: {  	s0 =	rddreg [dreg:$0x7]  }
0x2f: {  	[hbm4b:s4+s2] =	stream.indirect_vreg.scatter [tilespmem:s0], [sflag:$0x1], $0x80, v3, vm1, $0xb8;
	[tilespmem:$0xC080] =	vst v63  }
0x30: {  	v3 =	vld [tilespmem:$0x10];
	_ =	sdelay $0x4  }
0x31: {  	v57 =	vshrl.u32 v3, $0x3  }
0x32: {  	v4 =	vmul.u32 $0x18, v57  }
0x33: {  	v3 =	vand.u32 $0x7, v3  }
0x34: {  	v3 =	vor.u32 v3, v4  }
0x35: {  	v4 =	vperm.xlane v3, v0;
	_ =	sdelay $0x1  }
0x36: {  	v4 =	vadd.s32 v1, v4;
	_ =	sdelay $0x1  }
0x37: {  	v3 =	vperm.xlane v3, v2;
	_ =	sdelay $0x1  }
0x38: {  	s0 =	rddreg [dreg:$0x8];
	v3 =	vadd.s32 v1, v3  }
0x39: {  	[hbm4b:s3+s2] =	stream.indirect_vreg.scatter [tilespmem:s0], [sflag:$0x1], $0x80, v4, vm0, $0xb8;
	[tilespmem:$0xC080] =	vst v63  }
0x3a: {  	s8 =	rddreg [dreg:$0x9]  }
0x3b: {  	[hbm4b:s4+s2] =	stream.indirect_vreg.scatter [tilespmem:s8], [sflag:$0x1], $0x80, v4, vm1, $0xb8;
	[tilespmem:$0xC080] =	vst v63  }
0x3c: {  	s0 =	rddreg [dreg:$0xa]  }
0x3d: {  	[hbm4b:s3+s2] =	stream.indirect_vreg.scatter [tilespmem:s0], [sflag:$0x1], $0x80, v3, vm0, $0xb8;
	[tilespmem:$0xC080] =	vst v63  }
0x3e: {  	s8 =	rddreg [dreg:$0xb]  }
0x3f: {  	[hbm4b:s4+s2] =	stream.indirect_vreg.scatter [tilespmem:s8], [sflag:$0x1], $0x80, v3, vm1, $0xb8;
	[tilespmem:$0xC080] =	vst v63  }
0x40: {  	v3 =	vld [tilespmem:$0x20];
	_ =	sdelay $0x4  }
0x41: {  	v58 =	vshrl.u32 v3, $0x3  }
0x42: {  	v4 =	vmul.u32 $0x18, v58  }
0x43: {  	v3 =	vand.u32 $0x7, v3  }
0x44: {  	v3 =	vor.u32 v3, v4  }
0x45: {  	v4 =	vperm.xlane v3, v0;
	_ =	sdelay $0x1  }
0x46: {  	v4 =	vadd.s32 v1, v4;
	_ =	sdelay $0x1  }
0x47: {  	v3 =	vperm.xlane v3, v2;
	_ =	sdelay $0x1  }
0x48: {  	s8 =	rddreg [dreg:$0xc];
	v3 =	vadd.s32 v1, v3  }
0x49: {  	[hbm4b:s3+s2] =	stream.indirect_vreg.scatter [tilespmem:s8], [sflag:$0x1], $0x80, v4, vm0, $0xb8;
	[tilespmem:$0xC080] =	vst v63  }
0x4a: {  	s8 =	simm.s32 $0x3880  }
0x4b: {  	[hbm4b:s4+s2] =	stream.indirect_vreg.scatter [tilespmem:s8], [sflag:$0x1], $0x80, v4, vm1, $0xb8;
	[tilespmem:$0xC080] =	vst v63  }
0x4c: {  	_ = 	snop  }
0x4d: {  	[hbm4b:s3+s2] =	stream.indirect_vreg.scatter [tilespmem:s9], [sflag:$0x1], $0x80, v3, vm0, $0xb8;
	[tilespmem:$0xC080] =	vst v63  }
0x4e: {  	_ = 	snop  }
0x4f: {  	[hbm4b:s4+s2] =	stream.indirect_vreg.scatter [tilespmem:s10], [sflag:$0x1], $0x80, v3, vm1, $0xb8;
	[tilespmem:$0xC080] =	vst v63  }
0x50: {  	v3 =	vld [tilespmem:$0x30];
	_ =	sdelay $0x4  }
0x51: {  	v59 =	vshrl.u32 v3, $0x3  }
0x52: {  	v4 =	vmul.u32 $0x18, v59  }
0x53: {  	v3 =	vand.u32 $0x7, v3  }
0x54: {  	v3 =	vor.u32 v3, v4  }
0x55: {  	v4 =	vperm.xlane v3, v0;
	_ =	sdelay $0x1  }
0x56: {  	v4 =	vadd.s32 v1, v4;
	_ =	sdelay $0x1  }
0x57: {  	v3 =	vperm.xlane v3, v2;
	_ =	sdelay $0x1  }
0x58: {  	v3 =	vadd.s32 v1, v3  }
0x59: {  	[hbm4b:s3+s2] =	stream.indirect_vreg.scatter [tilespmem:s11], [sflag:$0x1], $0x80, v4, vm0, $0xb8;
	[tilespmem:$0xC080] =	vst v63  }
0x5a: {  	_ = 	snop  }
0x5b: {  	[hbm4b:s4+s2] =	stream.indirect_vreg.scatter [tilespmem:s12], [sflag:$0x1], $0x80, v4, vm1, $0xb8;
	[tilespmem:$0xC080] =	vst v63  }
0x5c: {  	_ = 	snop  }
0x5d: {  	[hbm4b:s3+s2] =	stream.indirect_vreg.scatter [tilespmem:s13], [sflag:$0x1], $0x80, v3, vm0, $0xb8;
	[tilespmem:$0xC080] =	vst v63  }
0x5e: {  	_ = 	snop  }
0x5f: {  	[hbm4b:s4+s2] =	stream.indirect_vreg.scatter [tilespmem:s14], [sflag:$0x1], $0x80, v3, vm1, $0xb8;
	[tilespmem:$0xC080] =	vst v63  }
0x60: {  	v3 =	vld [tilespmem:$0x40];
	_ =	sdelay $0x4  }
0x61: {  	v60 =	vshrl.u32 v3, $0x3  }
0x62: {  	v4 =	vmul.u32 $0x18, v60  }
0x63: {  	v3 =	vand.u32 $0x7, v3  }
0x64: {  	v3 =	vor.u32 v3, v4  }
0x65: {  	v4 =	vperm.xlane v3, v0;
	_ =	sdelay $0x1  }
0x66: {  	v4 =	vadd.s32 v1, v4;
	_ =	sdelay $0x1  }
0x67: {  	v3 =	vperm.xlane v3, v2;
	_ =	sdelay $0x1  }
0x68: {  	v3 =	vadd.s32 v1, v3  }
0x69: {  	[hbm4b:s3+s2] =	stream.indirect_vreg.scatter [tilespmem:s15], [sflag:$0x1], $0x80, v4, vm0, $0xb8;
	[tilespmem:$0xC080] =	vst v63  }
0x6a: {  	_ = 	snop  }
0x6b: {  	[hbm4b:s4+s2] =	stream.indirect_vreg.scatter [tilespmem:s16], [sflag:$0x1], $0x80, v4, vm1, $0xb8;
	[tilespmem:$0xC080] =	vst v63  }
0x6c: {  	_ = 	snop  }
0x6d: {  	[hbm4b:s3+s2] =	stream.indirect_vreg.scatter [tilespmem:s17], [sflag:$0x1], $0x80, v3, vm0, $0xb8;
	[tilespmem:$0xC080] =	vst v63  }
0x6e: {  	_ = 	snop  }
0x6f: {  	[hbm4b:s4+s2] =	stream.indirect_vreg.scatter [tilespmem:s18], [sflag:$0x1], $0x80, v3, vm1, $0xb8;
	[tilespmem:$0xC080] =	vst v63  }
0x70: {  	v3 =	vld [tilespmem:$0x50];
	_ =	sdelay $0x4  }
0x71: {  	v61 =	vshrl.u32 v3, $0x3  }
0x72: {  	v4 =	vmul.u32 $0x18, v61  }
0x73: {  	v3 =	vand.u32 $0x7, v3  }
0x74: {  	v3 =	vor.u32 v3, v4  }
0x75: {  	v4 =	vperm.xlane v3, v0;
	_ =	sdelay $0x1  }
0x76: {  	v4 =	vadd.s32 v1, v4;
	_ =	sdelay $0x1  }
0x77: {  	v3 =	vperm.xlane v3, v2;
	_ =	sdelay $0x1  }
0x78: {  	v3 =	vadd.s32 v1, v3  }
0x79: {  	[hbm4b:s3+s2] =	stream.indirect_vreg.scatter [tilespmem:s19], [sflag:$0x1], $0x80, v4, vm0, $0xb8;
	[tilespmem:$0xC080] =	vst v63  }
0x7a: {  	_ = 	snop  }
0x7b: {  	[hbm4b:s4+s2] =	stream.indirect_vreg.scatter [tilespmem:s20], [sflag:$0x1], $0x80, v4, vm1, $0xb8;
	[tilespmem:$0xC080] =	vst v63  }
0x7c: {  	_ = 	snop  }
0x7d: {  	[hbm4b:s3+s2] =	stream.indirect_vreg.scatter [tilespmem:s21], [sflag:$0x1], $0x80, v3, vm0, $0xb8;
	[tilespmem:$0xC080] =	vst v63  }
0x7e: {  	_ = 	snop  }
0x7f: {  	[hbm4b:s4+s2] =	stream.indirect_vreg.scatter [tilespmem:s22], [sflag:$0x1], $0x80, v3, vm1, $0xb8;
	[tilespmem:$0xC080] =	vst v63  }
0x80: {  	v3 =	vld [tilespmem:$0x60];
	_ =	sdelay $0x4  }
0x81: {  	v62 =	vshrl.u32 v3, $0x3  }
0x82: {  	v4 =	vmul.u32 $0x18, v62  }
0x83: {  	v3 =	vand.u32 $0x7, v3  }
0x84: {  	v3 =	vor.u32 v3, v4  }
0x85: {  	v4 =	vperm.xlane v3, v0;
	_ =	sdelay $0x1  }
0x86: {  	v4 =	vadd.s32 v1, v4;
	_ =	sdelay $0x1  }
0x87: {  	v3 =	vperm.xlane v3, v2;
	_ =	sdelay $0x1  }
0x88: {  	v3 =	vadd.s32 v1, v3  }
0x89: {  	[hbm4b:s3+s2] =	stream.indirect_vreg.scatter [tilespmem:s23], [sflag:$0x1], $0x80, v4, vm0, $0xb8;
	[tilespmem:$0xC080] =	vst v63  }
0x8a: {  	_ = 	snop  }
0x8b: {  	[hbm4b:s4+s2] =	stream.indirect_vreg.scatter [tilespmem:s24], [sflag:$0x1], $0x80, v4, vm1, $0xb8;
	[tilespmem:$0xC080] =	vst v63  }
0x8c: {  	_ = 	snop  }
0x8d: {  	[hbm4b:s3+s2] =	stream.indirect_vreg.scatter [tilespmem:s25], [sflag:$0x1], $0x80, v3, vm0, $0xb8;
	[tilespmem:$0xC080] =	vst v63  }
0x8e: {  	_ = 	snop  }
0x8f: {  	[hbm4b:s4+s2] =	stream.indirect_vreg.scatter [tilespmem:s26], [sflag:$0x1], $0x80, v3, vm1, $0xb8;
	[tilespmem:$0xC080] =	vst v63  }
0x90: {  	v3 =	vld [tilespmem:$0x70];
	_ =	sdelay $0x4  }
0x91: {  	v63 =	vshrl.u32 v3, $0x3  }
0x92: {  	v4 =	vmul.u32 $0x18, v63  }
0x93: {  	v3 =	vand.u32 $0x7, v3  }
0x94: {  	v3 =	vor.u32 v3, v4  }
0x95: {  	v4 =	vperm.xlane v3, v0;
	_ =	sdelay $0x1  }
0x96: {  	v4 =	vadd.s32 v1, v4;
	_ =	sdelay $0x1  }
0x97: {  	v3 =	vperm.xlane v3, v2;
	_ =	sdelay $0x1  }
0x98: {  	v3 =	vadd.s32 v1, v3  }
0x99: {  	[hbm4b:s3+s2] =	stream.indirect_vreg.scatter [tilespmem:s28], [sflag:$0x1], $0x80, v4, vm0, $0xb8;
	[tilespmem:$0xC080] =	vst v63  }
0x9a: {  	_ = 	snop  }
0x9b: {  	[hbm4b:s4+s2] =	stream.indirect_vreg.scatter [tilespmem:s29], [sflag:$0x1], $0x80, v4, vm1, $0xb8;
	[tilespmem:$0xC080] =	vst v63  }
0x9c: {  	p0 =	sne.s32 s5, $0x1  }
0x9d: {  	[hbm4b:s3+s2] =	stream.indirect_vreg.scatter [tilespmem:s30], [sflag:$0x1], $0x80, v3, vm0, $0xb8;
	[tilespmem:$0xC080] =	vst v63  }
.Ltmp0:
0x9e: {  	_ = 	snop;
	(pc) =	sbr.rel @p0 .LBB2_1-.Ltmp0, $4  }
0x9f: {  	[hbm4b:s4+s2] =	stream.indirect_vreg.scatter [tilespmem:s31], [sflag:$0x1], $0x80, v3, vm1, $0xb8;
	[tilespmem:$0xC080] =	vst v63  }
0xa0: {  	_ =	swait.ge [sflag:s1], $0xC000  }
0xa1: {  	[sflag:s1] =	ssyncset.done $0x0  }
0xa2: {  	s5 =	sadd.s32 $0xFFFFFFFF, s5;
	[sflag:s1] =	ssyncadd.s32 $0xFFFF4000  }
0xa3: {  	_ =	sfence.sel $0x180000  }
0xa4: {  	[bflag:$0x0] =	sbarrier.arrive $0xFFFF  }
0xa5: {  	_ =	strace $0x90000047  }
0xa6: {  	s0 =	stileid.u32;
	[bflag:$0x2] =	sbarrier.arrive $0xFFFF  }
0xa7: {  	p0 =	sne.s32 s0, $0x0;
	s0 =	rddreg [dreg:$0x2]  }
0xa8: {  	s0 =	sadd.s32 @!p0 $0x100000, s0  }
0xa9: {  	[sflag:s0] =	ssyncadd.tile.s32 @!p0 $0x1;
	_ =	shalt  }
.Lfunc_end2:
_tile_overlayer_lowered:
.L_overlay_start_2:
0xaa: {  	(tag) =	ssettag $0x2  }
0xab: {  	s0 =	rddreg [dreg:$0x0];
	s2 =	stileid.u32  }
0xac: {  	s1 =	rddreg [dreg:$0x1];
	p0 =	sne.s32 s2, $0x0  }
0xad: {  	s3 =	rddreg [dreg:$0x2];
	[bflag:$0x3] =	sbarrier.arrive $0xFFFF;
	s2 =	simm.s32 @!p0 $0x1C02  }
0xae: {  	[timem:s3], [sflag:s2] =	dma.local @!p0 [hbm:s0], s1  }
0xaf: {  	s0 =	simm.s32 @!p0 $0x2  }
0xb0: {  	_ =	swait.ge @!p0 [sflag:s0], s1  }
0xb1: {  	s1 =	ssub.s32 @!p0 $0x0, s1;
	[sflag:s0] =	ssyncset.done @!p0 $0x0  }
0xb2: {  	[sflag:s0] =	ssyncadd.s32 @!p0 s1  }
0xb3: {  	[bflag:$0x3] =	sbarrier.arrive $0xFFFF  }
0xb4: {  	_ =	shalt  }

</sc_bundles>
